<compile_context>
chip_gen: v7x
topology: tpu7x:2x2x1
jax: 0.10.2.dev20260603
libtpu: 0.0.44.dev20260713+nightly
codegen_flags: <defaults>
</compile_context>

<pallas_src>
import numpy as np
import jax
import jax.numpy as jnp
from jax import lax
from jax.experimental import pallas as pl
from jax.experimental.pallas import tpu as pltpu
from jax.experimental.pallas import tpu_sc as plsc

_NUM_CLASSES = 100
_BATCH = 16384
_TSW = 1.0
_ZS = list(range(64, 84))

_NC = 2
_NS = 16
_NW = _NC * _NS
_RPW = _BATCH // _NW
_GRP = _RPW // 16
_DEPTH = 7
_ROOT_MID = _NUM_CLASSES // 2
_PROWS = 105

_TB = 2048
_PB = 2048


def _tree_ranges(n):
    nodes = []

    def rec(lo, hi):
        if hi - lo <= 1:
            return
        mid = lo + (hi - lo) // 2
        nodes.append((lo, mid, hi))
        rec(lo, mid)
        rec(mid, hi)

    rec(0, n)
    return nodes


def _pair_np():
    ranges = _tree_ranges(_NUM_CLASSES)
    pair = {l: None for l in _ZS}
    for (lo, mid, hi) in ranges:
        children_ids = [lo, mid]
        inter = [i for i in _ZS if i in children_ids]
        union = [i for i in children_ids if i not in _ZS]
        for label in inter:
            if union:
                pair[label] = union[0]
    tbl = np.arange(128, dtype=np.int32)
    for l, p in pair.items():
        if p is not None:
            tbl[l] = p
    return tbl


_PAIR = _pair_np()


def _rcp_np():
    tbl = np.ones(64, dtype=np.float32)
    tbl[1:] = 1.0 / np.arange(1, 64, dtype=np.float32)
    return tbl


_RCP = _rcp_np()


def _ltri_np():
    U = np.zeros((_NUM_CLASSES, _PROWS), np.float32)
    for c in range(_PROWS):
        U[: min(c, _NUM_CLASSES), c] = 1.0
    return U


_LTRI = _ltri_np()


def _vlog(x):
    bits = lax.bitcast_convert_type(x, jnp.int32)
    e = ((bits >> 23) & 0xFF) - 127
    m = lax.bitcast_convert_type((bits & 0x7FFFFF) | 0x3F800000, jnp.float32)
    t = (m - 1.0) / (m + 1.0)
    t2 = t * t
    poly = 1.0 + t2 * (
        0.33333334 + t2 * (0.2 + t2 * (0.14285715 + t2 * (0.11111111 + t2 * 0.09090909)))
    )
    return e.astype(jnp.float32) * 0.6931472 + 2.0 * t * poly


def _pfx_body(x_ref, u_ref, out_ref):
    out_ref[...] = jnp.dot(x_ref[...], u_ref[...], preferred_element_type=jnp.float32)


def _sc_body(p_hbm, t_hbm, pair_hbm, rcp_hbm, out_hbm, p_v, t_v, pair_v, rcp_v, acc_v):
    wid = lax.axis_index("s") * _NC + lax.axis_index("c")
    base = wid * _RPW
    pltpu.sync_copy(p_hbm.at[pl.ds(base, _RPW), :], p_v)
    pltpu.sync_copy(t_hbm.at[pl.ds(base, _RPW)], t_v)
    pltpu.sync_copy(pair_hbm, pair_v)
    pltpu.sync_copy(rcp_hbm, rcp_v)

    iota16 = lax.iota(jnp.int32, 16)
    zero = jnp.zeros((16,), jnp.float32)
    one = jnp.ones((16,), jnp.float32)

    def group(g, acc):
        rows = g * 16 + iota16
        s_total = plsc.load_gather(p_v, [rows, jnp.full((16,), _NUM_CLASSES, jnp.int32)])
        p_root = plsc.load_gather(p_v, [rows, jnp.full((16,), _ROOT_MID, jnp.int32)])
        tt = t_v[pl.ds(g * 16, 16)]
        pp = plsc.load_gather(pair_v, [tt])
        z0 = (p_root - (s_total - p_root)) * (1.0 / _ROOT_MID)
        n_acc = one
        d_acc = one
        states = []
        for t in (tt, pp):
            isl = t < _ROOT_MID
            z = jnp.where(isl, z0, -z0)
            en = jnp.exp(-jnp.abs(z))
            n_acc = n_acc * jnp.where(z >= 0, one, en)
            d_acc = d_acc * (1.0 + en)
            states.append(
                (
                    t,
                    jnp.where(isl, 0, _ROOT_MID),
                    jnp.where(isl, _ROOT_MID, _NUM_CLASSES),
                    jnp.where(isl, zero, p_root),
                    jnp.where(isl, p_root, s_total),
                )
            )
        for _ in range(_DEPTH - 1):
            new_states = []
            for (t, lo, hi, plo, phi) in states:
                ln_ = hi - lo
                active = ln_ > 1
                mid = lo + (ln_ >> 1)
                pmid = plsc.load_gather(p_v, [rows, mid])
                rl = plsc.load_gather(rcp_v, [mid - lo])
                rr = plsc.load_gather(rcp_v, [hi - mid])
                mean_l = (pmid - plo) * rl
                mean_r = (phi - pmid) * rr
                isl = t < mid
                z = jnp.where(isl, mean_l - mean_r, mean_r - mean_l)
                en = jnp.exp(-jnp.abs(z))
                n = jnp.where(z >= 0, one, en)
                n_acc = n_acc * jnp.where(active, n, one)
                d_acc = d_acc * jnp.where(active, 1.0 + en, one)
                keep_l = active & isl
                keep_r = active & (~isl)
                new_states.append(
                    (
                        t,
                        jnp.where(keep_r, mid, lo),
                        jnp.where(keep_l, mid, hi),
                        jnp.where(keep_r, pmid, plo),
                        jnp.where(keep_l, pmid, phi),
                    )
                )
            states = new_states

        contrib = (_vlog(d_acc) - _vlog(n_acc)) * (0.5 * _TSW)
        return acc + contrib

    acc = lax.fori_loop(0, _GRP, group, zero)
    acc_v[...] = acc
    pltpu.sync_copy(acc_v, out_hbm.at[wid, :])


def _tc_body(x_ref, t_ref, out_ref):
    i = pl.program_id(0)
    x = x_ref[...]
    t = t_ref[...]
    cols = lax.broadcasted_iota(jnp.int32, (_TB, _NUM_CLASSES), 1)
    m = jnp.max(x, axis=1)
    e = jnp.exp(x - m[:, None])
    sel = jnp.where(cols == t, x, 0.0)
    ones = jnp.ones((_NUM_CLASSES, 1), jnp.float32)
    se = jnp.dot(e, ones, preferred_element_type=jnp.float32)
    val = jnp.dot(sel, ones, preferred_element_type=jnp.float32)
    lse = m[:, None] + jnp.log(se)
    partial = jnp.sum(lse - val) * (1.0 / _BATCH)

    @pl.when(i == 0)
    def _():
        out_ref[...] = jnp.zeros((1, 1), jnp.float32)

    out_ref[...] += partial.reshape(1, 1)


@jax.jit
def _loss(outputs, targets, pair, rcp, ltri):
    pfx = pl.pallas_call(
        _pfx_body,
        grid=(_BATCH // _PB,),
        in_specs=[
            pl.BlockSpec((_PB, _NUM_CLASSES), lambda i: (i, 0)),
            pl.BlockSpec((_NUM_CLASSES, _PROWS), lambda i: (0, 0)),
        ],
        out_specs=pl.BlockSpec((_PB, _PROWS), lambda i: (i, 0)),
        out_shape=jax.ShapeDtypeStruct((_BATCH, _PROWS), jnp.float32),
        compiler_params=pltpu.CompilerParams(
            dimension_semantics=("arbitrary",),
        ),
    )(outputs, ltri)

    mesh = plsc.VectorSubcoreMesh(core_axis_name="c", subcore_axis_name="s")
    sc_fn = pl.kernel(
        _sc_body,
        mesh=mesh,
        out_type=jax.ShapeDtypeStruct((_NW, 16), jnp.float32),
        compiler_params=pltpu.CompilerParams(needs_layout_passes=False),
        scratch_types=[
            pltpu.VMEM((_RPW, _PROWS), jnp.float32),
            pltpu.VMEM((_RPW,), jnp.int32),
            pltpu.VMEM((128,), jnp.int32),
            pltpu.VMEM((64,), jnp.float32),
            pltpu.VMEM((16,), jnp.float32),
        ],
    )
    sc_parts = sc_fn(pfx, targets, pair, rcp)

    t2 = targets.reshape(-1, 1)
    ce = pl.pallas_call(
        _tc_body,
        grid=(_BATCH // _TB,),
        in_specs=[
            pl.BlockSpec((_TB, _NUM_CLASSES), lambda i: (i, 0)),
            pl.BlockSpec((_TB, 1), lambda i: (i, 0)),
        ],
        out_specs=pl.BlockSpec((1, 1), lambda i: (0, 0)),
        out_shape=jax.ShapeDtypeStruct((1, 1), jnp.float32),
        compiler_params=pltpu.CompilerParams(
            dimension_semantics=("arbitrary",),
        ),
    )(outputs, t2)

    return ce[0, 0] + jnp.sum(sc_parts) * (1.0 / _BATCH)


def kernel(outputs, targets):
    return _loss(
        outputs,
        targets.astype(jnp.int32),
        jnp.asarray(_PAIR),
        jnp.asarray(_RCP),
        jnp.asarray(_LTRI),
    )

# --- scband reference (transcript-rebuilt; emitter-appended) ---
"""Pipeline reference for scband-zssoft-tree-sup-loss-77137612636503 (READ-ONLY COPY).

The authoritative reference and input builder live on the scoring server;
editing this copy changes nothing except your own understanding.
"""

import jax, jax.numpy as jnp
import numpy as np

NUM_CLASSES = 100
BATCH = 16384
TREE_SUPERVISION_WEIGHT = 1.0
ZS_LABELS = list(range(64, 84))


def _build_nodes(num_classes):
    # Balanced binary induced hierarchy: each node is a list of child groups,
    # where each group is the list of original (old) class indices under that child.
    nodes = []
    def rec(idxs):
        if len(idxs) <= 1:
            return
        mid = len(idxs) // 2
        left, right = idxs[:mid], idxs[mid:]
        nodes.append([left, right])
        rec(left)
        rec(right)
    rec(list(range(num_classes)))
    return nodes

NODES = _build_nodes(NUM_CLASSES)


def _pairings(nodes):
    # Faithful port of ZSSoftTreeSupLoss.pair_zs
    pair = {l: None for l in ZS_LABELS}
    for groups in nodes:
        children_ids = [g[0] for g in groups]
        intersection = [i for i in ZS_LABELS if i in children_ids]
        union = [i for i in children_ids if i not in ZS_LABELS]
        for label in intersection:
            if len(union) > 0:
                pair[label] = union[0]
    return pair


def _smooth_matrix():
    # smooth_one_hot: one-hot targets; zero-shot labels with a pairing split
    # their mass 50/50 with the paired seen class.
    S = np.eye(NUM_CLASSES, dtype=np.float32)
    for l, p in _pairings(NODES).items():
        if p is not None:
            S[l, l] = 0.5
            S[l, p] = 0.5
    return jnp.asarray(S)

SMOOTH = _smooth_matrix()


def setup_inputs(seed: int = 0) -> dict:
    key = jax.random.key(seed)
    k1, k2 = jax.random.split(key)
    outputs = jax.random.normal(k1, (BATCH, NUM_CLASSES), dtype=jnp.float32)
    targets = jax.random.randint(k2, (BATCH,), 0, NUM_CLASSES, dtype=jnp.int32)
    return {"outputs": outputs, "targets": targets}


def _soft_inference(outputs):
    # SoftTreeSupLoss.inference with weighted_average=False:
    # per node: child logits = mean of leaf logits under child, softmax over children,
    # then class_probs[:, old_indices] *= probs[:, new_indices].
    class_probs = jnp.ones((outputs.shape[0], NUM_CLASSES), dtype=outputs.dtype)
    for groups in NODES:
        child_logits = jnp.stack(
            [outputs[:, jnp.asarray(g, dtype=jnp.int32)].mean(axis=1) for g in groups],
            axis=1,
        )
        probs = jax.nn.softmax(child_logits, axis=1)
        old_idx, new_idx = [], []
        for ci, g in enumerate(groups):
            old_idx.extend(g)
            new_idx.extend([ci] * len(g))
        old_idx = jnp.asarray(old_idx, dtype=jnp.int32)
        new_idx = jnp.asarray(new_idx, dtype=jnp.int32)
        class_probs = class_probs.at[:, old_idx].multiply(probs[:, new_idx])
    return class_probs


def _cross_entropy(logits, targets):
    logp = jax.nn.log_softmax(logits, axis=1)
    return -jnp.take_along_axis(logp, targets[:, None].astype(jnp.int32), axis=1).mean()


def reference(outputs, targets):
    smoothed_targets = SMOOTH[targets]
    loss = _cross_entropy(outputs, targets)
    bayesian_outputs = _soft_inference(outputs)
    cxe = -(smoothed_targets * jnp.log(bayesian_outputs)).sum(axis=1).mean()
    return loss + cxe * TREE_SUPERVISION_WEIGHT

if __name__ == "__main__":
    import jax
    _d = setup_inputs()
    print(jax.jit(kernel)(*tuple(_d.values())))

</pallas_src>

<mosaic_0001>
#map = affine_map<(d0, d1) -> (0, 0)>
#map1 = affine_map<(d0, d1) -> (0)>
module attributes {stable_mosaic.version = 14 : i64} {
  func.func @_sc_body(%arg0: i32, %arg1: i32, %arg2: memref<16384x105xf32, #tpu.memory_space<hbm>>, %arg3: memref<16384xi32, #tpu.memory_space<hbm>>, %arg4: memref<128xi32, #tpu.memory_space<hbm>>, %arg5: memref<64xf32, #tpu.memory_space<hbm>>, %arg6: memref<32x16xf32, #tpu.memory_space<hbm>>, %arg7: memref<512x105xf32, #tpu.memory_space<vmem>>, %arg8: memref<512xi32, #tpu.memory_space<vmem>>, %arg9: memref<128xi32, #tpu.memory_space<vmem>>, %arg10: memref<64xf32, #tpu.memory_space<vmem>>, %arg11: memref<16xf32, #tpu.memory_space<vmem>>) attributes {dimension_semantics = [#tpu.dimension_semantics<core_parallel>, #tpu.dimension_semantics<subcore_parallel>], iteration_bounds = array<i64: 2, 16>, scalar_prefetch = 0 : i64, scratch_operands = 5 : i64, tpu.core_type = #tpu.core_type<sc_vector_subcore>, window_params = [{transform_indices = #map}, {transform_indices = #map1}, {transform_indices = #map1}, {transform_indices = #map1}, {transform_indices = #map}]} {
    %mul3A = arith.constant 2 : i32
    %mul3A_0 = arith.muli %arg1, %mul3A : i32
    %add3A = arith.addi %mul3A_0, %arg0 : i32
    %mul3A_1 = arith.constant 512 : i32
    %mul3A_2 = arith.muli %add3A, %mul3A_1 : i32
    "tpu.region"() ({
      %run_scoped3A = tpu.sem_alloc : memref<!tpu.dma_semaphore, #tpu.memory_space<semaphore_mem>>
      %dma_start3A = arith.constant 0 : i32
      %dma_start3A_12 = tpu.memref_slice %arg2[%mul3A_2, %dma_start3A] : memref<16384x105xf32, #tpu.memory_space<hbm>> -> memref<512x105xf32, #tpu.memory_space<hbm>>
      %dma_start3A_13 = arith.constant 0 : i32
      %dma_start3A_14 = tpu.memref_slice %arg2[%mul3A_2, %dma_start3A_13] : memref<16384x105xf32, #tpu.memory_space<hbm>> -> memref<512x105xf32, #tpu.memory_space<hbm>>
      tpu.enqueue_dma source(%dma_start3A_14 : memref<512x105xf32, #tpu.memory_space<hbm>>) target(%arg7 : memref<512x105xf32, #tpu.memory_space<vmem>>) target_semaphore(%run_scoped3A : memref<!tpu.dma_semaphore, #tpu.memory_space<semaphore_mem>>)
      %dma_wait3A = arith.constant 0 : i32
      %dma_wait3A_15 = tpu.memref_slice %arg2[%mul3A_2, %dma_wait3A] : memref<16384x105xf32, #tpu.memory_space<hbm>> -> memref<512x105xf32, #tpu.memory_space<hbm>>
      %dma_wait3A_16 = arith.constant 0 : i32
      %dma_wait3A_17 = tpu.memref_slice %arg2[%mul3A_2, %dma_wait3A_16] : memref<16384x105xf32, #tpu.memory_space<hbm>> -> memref<512x105xf32, #tpu.memory_space<hbm>>
      tpu.wait_dma2 semaphore(%run_scoped3A : memref<!tpu.dma_semaphore, #tpu.memory_space<semaphore_mem>>) src(%dma_wait3A_17 : memref<512x105xf32, #tpu.memory_space<hbm>>) dst(%arg7 : memref<512x105xf32, #tpu.memory_space<vmem>>)
      tpu.yield
    }) : () -> ()
    "tpu.region"() ({
      %run_scoped3A = tpu.sem_alloc : memref<!tpu.dma_semaphore, #tpu.memory_space<semaphore_mem>>
      %dma_start3A = tpu.memref_slice %arg3[%mul3A_2] : memref<16384xi32, #tpu.memory_space<hbm>> -> memref<512xi32, #tpu.memory_space<hbm>>
      %dma_start3A_12 = tpu.memref_slice %arg3[%mul3A_2] : memref<16384xi32, #tpu.memory_space<hbm>> -> memref<512xi32, #tpu.memory_space<hbm>>
      tpu.enqueue_dma source(%dma_start3A_12 : memref<512xi32, #tpu.memory_space<hbm>>) target(%arg8 : memref<512xi32, #tpu.memory_space<vmem>>) target_semaphore(%run_scoped3A : memref<!tpu.dma_semaphore, #tpu.memory_space<semaphore_mem>>)
      %dma_wait3A = tpu.memref_slice %arg3[%mul3A_2] : memref<16384xi32, #tpu.memory_space<hbm>> -> memref<512xi32, #tpu.memory_space<hbm>>
      %dma_wait3A_13 = tpu.memref_slice %arg3[%mul3A_2] : memref<16384xi32, #tpu.memory_space<hbm>> -> memref<512xi32, #tpu.memory_space<hbm>>
      tpu.wait_dma2 semaphore(%run_scoped3A : memref<!tpu.dma_semaphore, #tpu.memory_space<semaphore_mem>>) src(%dma_wait3A_13 : memref<512xi32, #tpu.memory_space<hbm>>) dst(%arg8 : memref<512xi32, #tpu.memory_space<vmem>>)
      tpu.yield
    }) : () -> ()
    "tpu.region"() ({
      %run_scoped3A = tpu.sem_alloc : memref<!tpu.dma_semaphore, #tpu.memory_space<semaphore_mem>>
      tpu.enqueue_dma source(%arg4 : memref<128xi32, #tpu.memory_space<hbm>>) target(%arg9 : memref<128xi32, #tpu.memory_space<vmem>>) target_semaphore(%run_scoped3A : memref<!tpu.dma_semaphore, #tpu.memory_space<semaphore_mem>>)
      tpu.wait_dma2 semaphore(%run_scoped3A : memref<!tpu.dma_semaphore, #tpu.memory_space<semaphore_mem>>) src(%arg4 : memref<128xi32, #tpu.memory_space<hbm>>) dst(%arg9 : memref<128xi32, #tpu.memory_space<vmem>>)
      tpu.yield
    }) : () -> ()
    "tpu.region"() ({
      %run_scoped3A = tpu.sem_alloc : memref<!tpu.dma_semaphore, #tpu.memory_space<semaphore_mem>>
      tpu.enqueue_dma source(%arg5 : memref<64xf32, #tpu.memory_space<hbm>>) target(%arg10 : memref<64xf32, #tpu.memory_space<vmem>>) target_semaphore(%run_scoped3A : memref<!tpu.dma_semaphore, #tpu.memory_space<semaphore_mem>>)
      tpu.wait_dma2 semaphore(%run_scoped3A : memref<!tpu.dma_semaphore, #tpu.memory_space<semaphore_mem>>) src(%arg5 : memref<64xf32, #tpu.memory_space<hbm>>) dst(%arg10 : memref<64xf32, #tpu.memory_space<vmem>>)
      tpu.yield
    }) : () -> ()
    %iota3A = tpu.iota {dimensions = array<i32: 0>} : vector<16xi32>
    %broadcast_in_dim3A = arith.constant 0.000000e+00 : f32
    %broadcast_in_dim3A_3 = vector.broadcast %broadcast_in_dim3A : f32 to vector<16xf32>
    %broadcast_in_dim3A_4 = arith.constant 1.000000e+00 : f32
    %broadcast_in_dim3A_5 = vector.broadcast %broadcast_in_dim3A_4 : f32 to vector<16xf32>
    %scan3A = arith.constant 0 : i32
    %scan3A_6 = arith.constant 32 : i32
    %scan3A_7 = arith.addi %scan3A, %scan3A_6 : i32
    %scan3A_8 = arith.constant 1 : i32
    %scan3A_9 = scf.for %scan3A_12 = %scan3A to %scan3A_7 step %scan3A_8 iter_args(%scan3A_13 = %broadcast_in_dim3A_3) -> (vector<16xf32>)  : i32 {
      %mul3A_14 = arith.constant 16 : i32
      %mul3A_15 = arith.muli %scan3A_12, %mul3A_14 : i32
      %add3A_16 = vector.broadcast %mul3A_15 : i32 to vector<16xi32>
      %add3A_17 = arith.addi %add3A_16, %iota3A : vector<16xi32>
      %broadcast_in_dim3A_18 = arith.constant 100 : i32
      %broadcast_in_dim3A_19 = vector.broadcast %broadcast_in_dim3A_18 : i32 to vector<16xi32>
      %gather3A = tpu.vector_load_idx %arg7[%add3A_17, %broadcast_in_dim3A_19] : memref<512x105xf32, #tpu.memory_space<vmem>>[vector<16xi32>, vector<16xi32>], vector<16xf32>,
      %broadcast_in_dim3A_20 = arith.constant 50 : i32
      %broadcast_in_dim3A_21 = vector.broadcast %broadcast_in_dim3A_20 : i32 to vector<16xi32>
      %gather3A_22 = tpu.vector_load_idx %arg7[%add3A_17, %broadcast_in_dim3A_21] : memref<512x105xf32, #tpu.memory_space<vmem>>[vector<16xi32>, vector<16xi32>], vector<16xf32>,
      %mul3A_23 = arith.constant 16 : i32
      %mul3A_24 = arith.muli %scan3A_12, %mul3A_23 : i32
      %get3A = arith.index_cast %mul3A_24 : i32 to index
      %get3A_25 = tpu.vector_load %arg8[%get3A] {strides = array<i32>} : memref<512xi32, #tpu.memory_space<vmem>>, vector<16xi32>,
      %gather3A_26 = tpu.vector_load_idx %arg9[%get3A_25] : memref<128xi32, #tpu.memory_space<vmem>>[vector<16xi32>], vector<16xi32>,
      %sub3A = arith.subf %gather3A, %gather3A_22 : vector<16xf32>
      %sub3A_27 = arith.subf %gather3A_22, %sub3A : vector<16xf32>
      %mul3A_28 = arith.constant 2.000000e-02 : f32
      %mul3A_29 = vector.broadcast %mul3A_28 : f32 to vector<16xf32>
      %mul3A_30 = arith.mulf %sub3A_27, %mul3A_29 : vector<16xf32>
      %lt3A = arith.constant 50 : i32
      %lt3A_31 = vector.broadcast %lt3A : i32 to vector<16xi32>
      %lt3A_32 = arith.cmpi slt, %get3A_25, %lt3A_31 : vector<16xi32>
      %neg3A = arith.constant 0.000000e+00 : f32
      %neg3A_33 = vector.broadcast %neg3A : f32 to vector<16xf32>
      %neg3A_34 = arith.subf %neg3A_33, %mul3A_30 : vector<16xf32>
      %select_n3A = arith.select %lt3A_32, %mul3A_30, %neg3A_34 : vector<16xi1>, vector<16xf32>
      %abs3A = math.absf %select_n3A : vector<16xf32>
      %neg3A_35 = arith.constant 0.000000e+00 : f32
      %neg3A_36 = vector.broadcast %neg3A_35 : f32 to vector<16xf32>
      %neg3A_37 = arith.subf %neg3A_36, %abs3A : vector<16xf32>
      %exp3A = math.exp %neg3A_37 : vector<16xf32>
      %ge3A = arith.constant 0.000000e+00 : f32
      %ge3A_38 = vector.broadcast %ge3A : f32 to vector<16xf32>
      %ge3A_39 = arith.cmpf oge, %select_n3A, %ge3A_38 : vector<16xf32>
      %select_n3A_40 = arith.select %ge3A_39, %broadcast_in_dim3A_5, %exp3A : vector<16xi1>, vector<16xf32>
      %mul3A_41 = arith.mulf %broadcast_in_dim3A_5, %select_n3A_40 : vector<16xf32>
      %add3A_42 = arith.constant 1.000000e+00 : f32
      %add3A_43 = vector.broadcast %add3A_42 : f32 to vector<16xf32>
      %add3A_44 = arith.addf %add3A_43, %exp3A : vector<16xf32>
      %mul3A_45 = arith.mulf %broadcast_in_dim3A_5, %add3A_44 : vector<16xf32>
      %jit3A = arith.constant 0 : i32
      %jit3A_46 = arith.constant 50 : i32
      %broadcast_in_dim3A_47 = vector.broadcast %jit3A : i32 to vector<16xi32>
      %broadcast_in_dim3A_48 = vector.broadcast %jit3A_46 : i32 to vector<16xi32>
      %select_n3A_49 = arith.select %lt3A_32, %broadcast_in_dim3A_47, %broadcast_in_dim3A_48 : vector<16xi1>, vector<16xi32>
      %jit3A_50 = arith.constant 50 : i32
      %jit3A_51 = arith.constant 100 : i32
      %broadcast_in_dim3A_52 = vector.broadcast %jit3A_50 : i32 to vector<16xi32>
      %broadcast_in_dim3A_53 = vector.broadcast %jit3A_51 : i32 to vector<16xi32>
      %select_n3A_54 = arith.select %lt3A_32, %broadcast_in_dim3A_52, %broadcast_in_dim3A_53 : vector<16xi1>, vector<16xi32>
      %select_n3A_55 = arith.select %lt3A_32, %broadcast_in_dim3A_3, %gather3A_22 : vector<16xi1>, vector<16xf32>
      %select_n3A_56 = arith.select %lt3A_32, %gather3A_22, %gather3A : vector<16xi1>, vector<16xf32>
      %lt3A_57 = arith.constant 50 : i32
      %lt3A_58 = vector.broadcast %lt3A_57 : i32 to vector<16xi32>
      %lt3A_59 = arith.cmpi slt, %gather3A_26, %lt3A_58 : vector<16xi32>
      %neg3A_60 = arith.constant 0.000000e+00 : f32
      %neg3A_61 = vector.broadcast %neg3A_60 : f32 to vector<16xf32>
      %neg3A_62 = arith.subf %neg3A_61, %mul3A_30 : vector<16xf32>
      %select_n3A_63 = arith.select %lt3A_59, %mul3A_30, %neg3A_62 : vector<16xi1>, vector<16xf32>
      %abs3A_64 = math.absf %select_n3A_63 : vector<16xf32>
      %neg3A_65 = arith.constant 0.000000e+00 : f32
      %neg3A_66 = vector.broadcast %neg3A_65 : f32 to vector<16xf32>
      %neg3A_67 = arith.subf %neg3A_66, %abs3A_64 : vector<16xf32>
      %exp3A_68 = math.exp %neg3A_67 : vector<16xf32>
      %ge3A_69 = arith.constant 0.000000e+00 : f32
      %ge3A_70 = vector.broadcast %ge3A_69 : f32 to vector<16xf32>
      %ge3A_71 = arith.cmpf oge, %select_n3A_63, %ge3A_70 : vector<16xf32>
      %select_n3A_72 = arith.select %ge3A_71, %broadcast_in_dim3A_5, %exp3A_68 : vector<16xi1>, vector<16xf32>
      %mul3A_73 = arith.mulf %mul3A_41, %select_n3A_72 : vector<16xf32>
      %add3A_74 = arith.constant 1.000000e+00 : f32
      %add3A_75 = vector.broadcast %add3A_74 : f32 to vector<16xf32>
      %add3A_76 = arith.addf %add3A_75, %exp3A_68 : vector<16xf32>
      %mul3A_77 = arith.mulf %mul3A_45, %add3A_76 : vector<16xf32>
      %jit3A_78 = arith.constant 0 : i32
      %jit3A_79 = arith.constant 50 : i32
      %broadcast_in_dim3A_80 = vector.broadcast %jit3A_78 : i32 to vector<16xi32>
      %broadcast_in_dim3A_81 = vector.broadcast %jit3A_79 : i32 to vector<16xi32>
      %select_n3A_82 = arith.select %lt3A_59, %broadcast_in_dim3A_80, %broadcast_in_dim3A_81 : vector<16xi1>, vector<16xi32>
      %jit3A_83 = arith.constant 50 : i32
      %jit3A_84 = arith.constant 100 : i32
      %broadcast_in_dim3A_85 = vector.broadcast %jit3A_83 : i32 to vector<16xi32>
      %broadcast_in_dim3A_86 = vector.broadcast %jit3A_84 : i32 to vector<16xi32>
      %select_n3A_87 = arith.select %lt3A_59, %broadcast_in_dim3A_85, %broadcast_in_dim3A_86 : vector<16xi1>, vector<16xi32>
      %select_n3A_88 = arith.select %lt3A_59, %broadcast_in_dim3A_3, %gather3A_22 : vector<16xi1>, vector<16xf32>
      %select_n3A_89 = arith.select %lt3A_59, %gather3A_22, %gather3A : vector<16xi1>, vector<16xf32>
      %sub3A_90 = arith.subi %select_n3A_54, %select_n3A_49 : vector<16xi32>
      %gt3A = arith.constant 1 : i32
      %gt3A_91 = vector.broadcast %gt3A : i32 to vector<16xi32>
      %gt3A_92 = arith.cmpi sgt, %sub3A_90, %gt3A_91 : vector<16xi32>
      %shift_right_arithmetic3A = arith.constant 1 : i32
      %shift_right_arithmetic3A_93 = vector.broadcast %shift_right_arithmetic3A : i32 to vector<16xi32>
      %shift_right_arithmetic3A_94 = arith.shrsi %sub3A_90, %shift_right_arithmetic3A_93 : vector<16xi32>
      %add3A_95 = arith.addi %select_n3A_49, %shift_right_arithmetic3A_94 : vector<16xi32>
      %gather3A_96 = tpu.vector_load_idx %arg7[%add3A_17, %add3A_95] : memref<512x105xf32, #tpu.memory_space<vmem>>[vector<16xi32>, vector<16xi32>], vector<16xf32>,
      %sub3A_97 = arith.subi %add3A_95, %select_n3A_49 : vector<16xi32>
      %gather3A_98 = tpu.vector_load_idx %arg10[%sub3A_97] : memref<64xf32, #tpu.memory_space<vmem>>[vector<16xi32>], vector<16xf32>,
      %sub3A_99 = arith.subi %select_n3A_54, %add3A_95 : vector<16xi32>
      %gather3A_100 = tpu.vector_load_idx %arg10[%sub3A_99] : memref<64xf32, #tpu.memory_space<vmem>>[vector<16xi32>], vector<16xf32>,
      %sub3A_101 = arith.subf %gather3A_96, %select_n3A_55 : vector<16xf32>
      %mul3A_102 = arith.mulf %sub3A_101, %gather3A_98 : vector<16xf32>
      %sub3A_103 = arith.subf %select_n3A_56, %gather3A_96 : vector<16xf32>
      %mul3A_104 = arith.mulf %sub3A_103, %gather3A_100 : vector<16xf32>
      %lt3A_105 = arith.cmpi slt, %get3A_25, %add3A_95 : vector<16xi32>
      %sub3A_106 = arith.subf %mul3A_102, %mul3A_104 : vector<16xf32>
      %sub3A_107 = arith.subf %mul3A_104, %mul3A_102 : vector<16xf32>
      %select_n3A_108 = arith.select %lt3A_105, %sub3A_106, %sub3A_107 : vector<16xi1>, vector<16xf32>
      %abs3A_109 = math.absf %select_n3A_108 : vector<16xf32>
      %neg3A_110 = arith.constant 0.000000e+00 : f32
      %neg3A_111 = vector.broadcast %neg3A_110 : f32 to vector<16xf32>
      %neg3A_112 = arith.subf %neg3A_111, %abs3A_109 : vector<16xf32>
      %exp3A_113 = math.exp %neg3A_112 : vector<16xf32>
      %ge3A_114 = arith.constant 0.000000e+00 : f32
      %ge3A_115 = vector.broadcast %ge3A_114 : f32 to vector<16xf32>
      %ge3A_116 = arith.cmpf oge, %select_n3A_108, %ge3A_115 : vector<16xf32>
      %select_n3A_117 = arith.select %ge3A_116, %broadcast_in_dim3A_5, %exp3A_113 : vector<16xi1>, vector<16xf32>
      %select_n3A_118 = arith.select %gt3A_92, %select_n3A_117, %broadcast_in_dim3A_5 : vector<16xi1>, vector<16xf32>
      %mul3A_119 = arith.mulf %mul3A_73, %select_n3A_118 : vector<16xf32>
      %add3A_120 = arith.constant 1.000000e+00 : f32
      %add3A_121 = vector.broadcast %add3A_120 : f32 to vector<16xf32>
      %add3A_122 = arith.addf %add3A_121, %exp3A_113 : vector<16xf32>
      %select_n3A_123 = arith.select %gt3A_92, %add3A_122, %broadcast_in_dim3A_5 : vector<16xi1>, vector<16xf32>
      %mul3A_124 = arith.mulf %mul3A_77, %select_n3A_123 : vector<16xf32>
      %and3A = arith.andi %gt3A_92, %lt3A_105 : vector<16xi1>
      %not3A = arith.constant dense<true> : vector<16xi1>
      %not3A_125 = arith.xori %lt3A_105, %not3A : vector<16xi1>
      %and3A_126 = arith.andi %gt3A_92, %not3A_125 : vector<16xi1>
      %select_n3A_127 = arith.select %and3A_126, %add3A_95, %select_n3A_49 : vector<16xi1>, vector<16xi32>
      %select_n3A_128 = arith.select %and3A, %add3A_95, %select_n3A_54 : vector<16xi1>, vector<16xi32>
      %select_n3A_129 = arith.select %and3A_126, %gather3A_96, %select_n3A_55 : vector<16xi1>, vector<16xf32>
      %select_n3A_130 = arith.select %and3A, %gather3A_96, %select_n3A_56 : vector<16xi1>, vector<16xf32>
      %sub3A_131 = arith.subi %select_n3A_87, %select_n3A_82 : vector<16xi32>
      %gt3A_132 = arith.constant 1 : i32
      %gt3A_133 = vector.broadcast %gt3A_132 : i32 to vector<16xi32>
      %gt3A_134 = arith.cmpi sgt, %sub3A_131, %gt3A_133 : vector<16xi32>
      %shift_right_arithmetic3A_135 = arith.constant 1 : i32
      %shift_right_arithmetic3A_136 = vector.broadcast %shift_right_arithmetic3A_135 : i32 to vector<16xi32>
      %shift_right_arithmetic3A_137 = arith.shrsi %sub3A_131, %shift_right_arithmetic3A_136 : vector<16xi32>
      %add3A_138 = arith.addi %select_n3A_82, %shift_right_arithmetic3A_137 : vector<16xi32>
      %gather3A_139 = tpu.vector_load_idx %arg7[%add3A_17, %add3A_138] : memref<512x105xf32, #tpu.memory_space<vmem>>[vector<16xi32>, vector<16xi32>], vector<16xf32>,
      %sub3A_140 = arith.subi %add3A_138, %select_n3A_82 : vector<16xi32>
      %gather3A_141 = tpu.vector_load_idx %arg10[%sub3A_140] : memref<64xf32, #tpu.memory_space<vmem>>[vector<16xi32>], vector<16xf32>,
      %sub3A_142 = arith.subi %select_n3A_87, %add3A_138 : vector<16xi32>
      %gather3A_143 = tpu.vector_load_idx %arg10[%sub3A_142] : memref<64xf32, #tpu.memory_space<vmem>>[vector<16xi32>], vector<16xf32>,
      %sub3A_144 = arith.subf %gather3A_139, %select_n3A_88 : vector<16xf32>
      %mul3A_145 = arith.mulf %sub3A_144, %gather3A_141 : vector<16xf32>
      %sub3A_146 = arith.subf %select_n3A_89, %gather3A_139 : vector<16xf32>
      %mul3A_147 = arith.mulf %sub3A_146, %gather3A_143 : vector<16xf32>
      %lt3A_148 = arith.cmpi slt, %gather3A_26, %add3A_138 : vector<16xi32>
      %sub3A_149 = arith.subf %mul3A_145, %mul3A_147 : vector<16xf32>
      %sub3A_150 = arith.subf %mul3A_147, %mul3A_145 : vector<16xf32>
      %select_n3A_151 = arith.select %lt3A_148, %sub3A_149, %sub3A_150 : vector<16xi1>, vector<16xf32>
      %abs3A_152 = math.absf %select_n3A_151 : vector<16xf32>
      %neg3A_153 = arith.constant 0.000000e+00 : f32
      %neg3A_154 = vector.broadcast %neg3A_153 : f32 to vector<16xf32>
      %neg3A_155 = arith.subf %neg3A_154, %abs3A_152 : vector<16xf32>
      %exp3A_156 = math.exp %neg3A_155 : vector<16xf32>
      %ge3A_157 = arith.constant 0.000000e+00 : f32
      %ge3A_158 = vector.broadcast %ge3A_157 : f32 to vector<16xf32>
      %ge3A_159 = arith.cmpf oge, %select_n3A_151, %ge3A_158 : vector<16xf32>
      %select_n3A_160 = arith.select %ge3A_159, %broadcast_in_dim3A_5, %exp3A_156 : vector<16xi1>, vector<16xf32>
      %select_n3A_161 = arith.select %gt3A_134, %select_n3A_160, %broadcast_in_dim3A_5 : vector<16xi1>, vector<16xf32>
      %mul3A_162 = arith.mulf %mul3A_119, %select_n3A_161 : vector<16xf32>
      %add3A_163 = arith.constant 1.000000e+00 : f32
      %add3A_164 = vector.broadcast %add3A_163 : f32 to vector<16xf32>
      %add3A_165 = arith.addf %add3A_164, %exp3A_156 : vector<16xf32>
      %select_n3A_166 = arith.select %gt3A_134, %add3A_165, %broadcast_in_dim3A_5 : vector<16xi1>, vector<16xf32>
      %mul3A_167 = arith.mulf %mul3A_124, %select_n3A_166 : vector<16xf32>
      %and3A_168 = arith.andi %gt3A_134, %lt3A_148 : vector<16xi1>
      %not3A_169 = arith.constant dense<true> : vector<16xi1>
      %not3A_170 = arith.xori %lt3A_148, %not3A_169 : vector<16xi1>
      %and3A_171 = arith.andi %gt3A_134, %not3A_170 : vector<16xi1>
      %select_n3A_172 = arith.select %and3A_171, %add3A_138, %select_n3A_82 : vector<16xi1>, vector<16xi32>
      %select_n3A_173 = arith.select %and3A_168, %add3A_138, %select_n3A_87 : vector<16xi1>, vector<16xi32>
      %select_n3A_174 = arith.select %and3A_171, %gather3A_139, %select_n3A_88 : vector<16xi1>, vector<16xf32>
      %select_n3A_175 = arith.select %and3A_168, %gather3A_139, %select_n3A_89 : vector<16xi1>, vector<16xf32>
      %sub3A_176 = arith.subi %select_n3A_128, %select_n3A_127 : vector<16xi32>
      %gt3A_177 = arith.constant 1 : i32
      %gt3A_178 = vector.broadcast %gt3A_177 : i32 to vector<16xi32>
      %gt3A_179 = arith.cmpi sgt, %sub3A_176, %gt3A_178 : vector<16xi32>
      %shift_right_arithmetic3A_180 = arith.constant 1 : i32
      %shift_right_arithmetic3A_181 = vector.broadcast %shift_right_arithmetic3A_180 : i32 to vector<16xi32>
      %shift_right_arithmetic3A_182 = arith.shrsi %sub3A_176, %shift_right_arithmetic3A_181 : vector<16xi32>
      %add3A_183 = arith.addi %select_n3A_127, %shift_right_arithmetic3A_182 : vector<16xi32>
      %gather3A_184 = tpu.vector_load_idx %arg7[%add3A_17, %add3A_183] : memref<512x105xf32, #tpu.memory_space<vmem>>[vector<16xi32>, vector<16xi32>], vector<16xf32>,
      %sub3A_185 = arith.subi %add3A_183, %select_n3A_127 : vector<16xi32>
      %gather3A_186 = tpu.vector_load_idx %arg10[%sub3A_185] : memref<64xf32, #tpu.memory_space<vmem>>[vector<16xi32>], vector<16xf32>,
      %sub3A_187 = arith.subi %select_n3A_128, %add3A_183 : vector<16xi32>
      %gather3A_188 = tpu.vector_load_idx %arg10[%sub3A_187] : memref<64xf32, #tpu.memory_space<vmem>>[vector<16xi32>], vector<16xf32>,
      %sub3A_189 = arith.subf %gather3A_184, %select_n3A_129 : vector<16xf32>
      %mul3A_190 = arith.mulf %sub3A_189, %gather3A_186 : vector<16xf32>
      %sub3A_191 = arith.subf %select_n3A_130, %gather3A_184 : vector<16xf32>
      %mul3A_192 = arith.mulf %sub3A_191, %gather3A_188 : vector<16xf32>
      %lt3A_193 = arith.cmpi slt, %get3A_25, %add3A_183 : vector<16xi32>
      %sub3A_194 = arith.subf %mul3A_190, %mul3A_192 : vector<16xf32>
      %sub3A_195 = arith.subf %mul3A_192, %mul3A_190 : vector<16xf32>
      %select_n3A_196 = arith.select %lt3A_193, %sub3A_194, %sub3A_195 : vector<16xi1>, vector<16xf32>
      %abs3A_197 = math.absf %select_n3A_196 : vector<16xf32>
      %neg3A_198 = arith.constant 0.000000e+00 : f32
      %neg3A_199 = vector.broadcast %neg3A_198 : f32 to vector<16xf32>
      %neg3A_200 = arith.subf %neg3A_199, %abs3A_197 : vector<16xf32>
      %exp3A_201 = math.exp %neg3A_200 : vector<16xf32>
      %ge3A_202 = arith.constant 0.000000e+00 : f32
      %ge3A_203 = vector.broadcast %ge3A_202 : f32 to vector<16xf32>
      %ge3A_204 = arith.cmpf oge, %select_n3A_196, %ge3A_203 : vector<16xf32>
      %select_n3A_205 = arith.select %ge3A_204, %broadcast_in_dim3A_5, %exp3A_201 : vector<16xi1>, vector<16xf32>
      %select_n3A_206 = arith.select %gt3A_179, %select_n3A_205, %broadcast_in_dim3A_5 : vector<16xi1>, vector<16xf32>
      %mul3A_207 = arith.mulf %mul3A_162, %select_n3A_206 : vector<16xf32>
      %add3A_208 = arith.constant 1.000000e+00 : f32
      %add3A_209 = vector.broadcast %add3A_208 : f32 to vector<16xf32>
      %add3A_210 = arith.addf %add3A_209, %exp3A_201 : vector<16xf32>
      %select_n3A_211 = arith.select %gt3A_179, %add3A_210, %broadcast_in_dim3A_5 : vector<16xi1>, vector<16xf32>
      %mul3A_212 = arith.mulf %mul3A_167, %select_n3A_211 : vector<16xf32>
      %and3A_213 = arith.andi %gt3A_179, %lt3A_193 : vector<16xi1>
      %not3A_214 = arith.constant dense<true> : vector<16xi1>
      %not3A_215 = arith.xori %lt3A_193, %not3A_214 : vector<16xi1>
      %and3A_216 = arith.andi %gt3A_179, %not3A_215 : vector<16xi1>
      %select_n3A_217 = arith.select %and3A_216, %add3A_183, %select_n3A_127 : vector<16xi1>, vector<16xi32>
      %select_n3A_218 = arith.select %and3A_213, %add3A_183, %select_n3A_128 : vector<16xi1>, vector<16xi32>
      %select_n3A_219 = arith.select %and3A_216, %gather3A_184, %select_n3A_129 : vector<16xi1>, vector<16xf32>
      %select_n3A_220 = arith.select %and3A_213, %gather3A_184, %select_n3A_130 : vector<16xi1>, vector<16xf32>
      %sub3A_221 = arith.subi %select_n3A_173, %select_n3A_172 : vector<16xi32>
      %gt3A_222 = arith.constant 1 : i32
      %gt3A_223 = vector.broadcast %gt3A_222 : i32 to vector<16xi32>
      %gt3A_224 = arith.cmpi sgt, %sub3A_221, %gt3A_223 : vector<16xi32>
      %shift_right_arithmetic3A_225 = arith.constant 1 : i32
      %shift_right_arithmetic3A_226 = vector.broadcast %shift_right_arithmetic3A_225 : i32 to vector<16xi32>
      %shift_right_arithmetic3A_227 = arith.shrsi %sub3A_221, %shift_right_arithmetic3A_226 : vector<16xi32>
      %add3A_228 = arith.addi %select_n3A_172, %shift_right_arithmetic3A_227 : vector<16xi32>
      %gather3A_229 = tpu.vector_load_idx %arg7[%add3A_17, %add3A_228] : memref<512x105xf32, #tpu.memory_space<vmem>>[vector<16xi32>, vector<16xi32>], vector<16xf32>,
      %sub3A_230 = arith.subi %add3A_228, %select_n3A_172 : vector<16xi32>
      %gather3A_231 = tpu.vector_load_idx %arg10[%sub3A_230] : memref<64xf32, #tpu.memory_space<vmem>>[vector<16xi32>], vector<16xf32>,
      %sub3A_232 = arith.subi %select_n3A_173, %add3A_228 : vector<16xi32>
      %gather3A_233 = tpu.vector_load_idx %arg10[%sub3A_232] : memref<64xf32, #tpu.memory_space<vmem>>[vector<16xi32>], vector<16xf32>,
      %sub3A_234 = arith.subf %gather3A_229, %select_n3A_174 : vector<16xf32>
      %mul3A_235 = arith.mulf %sub3A_234, %gather3A_231 : vector<16xf32>
      %sub3A_236 = arith.subf %select_n3A_175, %gather3A_229 : vector<16xf32>
      %mul3A_237 = arith.mulf %sub3A_236, %gather3A_233 : vector<16xf32>
      %lt3A_238 = arith.cmpi slt, %gather3A_26, %add3A_228 : vector<16xi32>
      %sub3A_239 = arith.subf %mul3A_235, %mul3A_237 : vector<16xf32>
      %sub3A_240 = arith.subf %mul3A_237, %mul3A_235 : vector<16xf32>
      %select_n3A_241 = arith.select %lt3A_238, %sub3A_239, %sub3A_240 : vector<16xi1>, vector<16xf32>
      %abs3A_242 = math.absf %select_n3A_241 : vector<16xf32>
      %neg3A_243 = arith.constant 0.000000e+00 : f32
      %neg3A_244 = vector.broadcast %neg3A_243 : f32 to vector<16xf32>
      %neg3A_245 = arith.subf %neg3A_244, %abs3A_242 : vector<16xf32>
      %exp3A_246 = math.exp %neg3A_245 : vector<16xf32>
      %ge3A_247 = arith.constant 0.000000e+00 : f32
      %ge3A_248 = vector.broadcast %ge3A_247 : f32 to vector<16xf32>
      %ge3A_249 = arith.cmpf oge, %select_n3A_241, %ge3A_248 : vector<16xf32>
      %select_n3A_250 = arith.select %ge3A_249, %broadcast_in_dim3A_5, %exp3A_246 : vector<16xi1>, vector<16xf32>
      %select_n3A_251 = arith.select %gt3A_224, %select_n3A_250, %broadcast_in_dim3A_5 : vector<16xi1>, vector<16xf32>
      %mul3A_252 = arith.mulf %mul3A_207, %select_n3A_251 : vector<16xf32>
      %add3A_253 = arith.constant 1.000000e+00 : f32
      %add3A_254 = vector.broadcast %add3A_253 : f32 to vector<16xf32>
      %add3A_255 = arith.addf %add3A_254, %exp3A_246 : vector<16xf32>
      %select_n3A_256 = arith.select %gt3A_224, %add3A_255, %broadcast_in_dim3A_5 : vector<16xi1>, vector<16xf32>
      %mul3A_257 = arith.mulf %mul3A_212, %select_n3A_256 : vector<16xf32>
      %and3A_258 = arith.andi %gt3A_224, %lt3A_238 : vector<16xi1>
      %not3A_259 = arith.constant dense<true> : vector<16xi1>
      %not3A_260 = arith.xori %lt3A_238, %not3A_259 : vector<16xi1>
      %and3A_261 = arith.andi %gt3A_224, %not3A_260 : vector<16xi1>
      %select_n3A_262 = arith.select %and3A_261, %add3A_228, %select_n3A_172 : vector<16xi1>, vector<16xi32>
      %select_n3A_263 = arith.select %and3A_258, %add3A_228, %select_n3A_173 : vector<16xi1>, vector<16xi32>
      %select_n3A_264 = arith.select %and3A_261, %gather3A_229, %select_n3A_174 : vector<16xi1>, vector<16xf32>
      %select_n3A_265 = arith.select %and3A_258, %gather3A_229, %select_n3A_175 : vector<16xi1>, vector<16xf32>
      %sub3A_266 = arith.subi %select_n3A_218, %select_n3A_217 : vector<16xi32>
      %gt3A_267 = arith.constant 1 : i32
      %gt3A_268 = vector.broadcast %gt3A_267 : i32 to vector<16xi32>
      %gt3A_269 = arith.cmpi sgt, %sub3A_266, %gt3A_268 : vector<16xi32>
      %shift_right_arithmetic3A_270 = arith.constant 1 : i32
      %shift_right_arithmetic3A_271 = vector.broadcast %shift_right_arithmetic3A_270 : i32 to vector<16xi32>
      %shift_right_arithmetic3A_272 = arith.shrsi %sub3A_266, %shift_right_arithmetic3A_271 : vector<16xi32>
      %add3A_273 = arith.addi %select_n3A_217, %shift_right_arithmetic3A_272 : vector<16xi32>
      %gather3A_274 = tpu.vector_load_idx %arg7[%add3A_17, %add3A_273] : memref<512x105xf32, #tpu.memory_space<vmem>>[vector<16xi32>, vector<16xi32>], vector<16xf32>,
      %sub3A_275 = arith.subi %add3A_273, %select_n3A_217 : vector<16xi32>
      %gather3A_276 = tpu.vector_load_idx %arg10[%sub3A_275] : memref<64xf32, #tpu.memory_space<vmem>>[vector<16xi32>], vector<16xf32>,
      %sub3A_277 = arith.subi %select_n3A_218, %add3A_273 : vector<16xi32>
      %gather3A_278 = tpu.vector_load_idx %arg10[%sub3A_277] : memref<64xf32, #tpu.memory_space<vmem>>[vector<16xi32>], vector<16xf32>,
      %sub3A_279 = arith.subf %gather3A_274, %select_n3A_219 : vector<16xf32>
      %mul3A_280 = arith.mulf %sub3A_279, %gather3A_276 : vector<16xf32>
      %sub3A_281 = arith.subf %select_n3A_220, %gather3A_274 : vector<16xf32>
      %mul3A_282 = arith.mulf %sub3A_281, %gather3A_278 : vector<16xf32>
      %lt3A_283 = arith.cmpi slt, %get3A_25, %add3A_273 : vector<16xi32>
      %sub3A_284 = arith.subf %mul3A_280, %mul3A_282 : vector<16xf32>
      %sub3A_285 = arith.subf %mul3A_282, %mul3A_280 : vector<16xf32>
      %select_n3A_286 = arith.select %lt3A_283, %sub3A_284, %sub3A_285 : vector<16xi1>, vector<16xf32>
      %abs3A_287 = math.absf %select_n3A_286 : vector<16xf32>
      %neg3A_288 = arith.constant 0.000000e+00 : f32
      %neg3A_289 = vector.broadcast %neg3A_288 : f32 to vector<16xf32>
      %neg3A_290 = arith.subf %neg3A_289, %abs3A_287 : vector<16xf32>
      %exp3A_291 = math.exp %neg3A_290 : vector<16xf32>
      %ge3A_292 = arith.constant 0.000000e+00 : f32
      %ge3A_293 = vector.broadcast %ge3A_292 : f32 to vector<16xf32>
      %ge3A_294 = arith.cmpf oge, %select_n3A_286, %ge3A_293 : vector<16xf32>
      %select_n3A_295 = arith.select %ge3A_294, %broadcast_in_dim3A_5, %exp3A_291 : vector<16xi1>, vector<16xf32>
      %select_n3A_296 = arith.select %gt3A_269, %select_n3A_295, %broadcast_in_dim3A_5 : vector<16xi1>, vector<16xf32>
      %mul3A_297 = arith.mulf %mul3A_252, %select_n3A_296 : vector<16xf32>
      %add3A_298 = arith.constant 1.000000e+00 : f32
      %add3A_299 = vector.broadcast %add3A_298 : f32 to vector<16xf32>
      %add3A_300 = arith.addf %add3A_299, %exp3A_291 : vector<16xf32>
      %select_n3A_301 = arith.select %gt3A_269, %add3A_300, %broadcast_in_dim3A_5 : vector<16xi1>, vector<16xf32>
      %mul3A_302 = arith.mulf %mul3A_257, %select_n3A_301 : vector<16xf32>
      %and3A_303 = arith.andi %gt3A_269, %lt3A_283 : vector<16xi1>
      %not3A_304 = arith.constant dense<true> : vector<16xi1>
      %not3A_305 = arith.xori %lt3A_283, %not3A_304 : vector<16xi1>
      %and3A_306 = arith.andi %gt3A_269, %not3A_305 : vector<16xi1>
      %select_n3A_307 = arith.select %and3A_306, %add3A_273, %select_n3A_217 : vector<16xi1>, vector<16xi32>
      %select_n3A_308 = arith.select %and3A_303, %add3A_273, %select_n3A_218 : vector<16xi1>, vector<16xi32>
      %select_n3A_309 = arith.select %and3A_306, %gather3A_274, %select_n3A_219 : vector<16xi1>, vector<16xf32>
      %select_n3A_310 = arith.select %and3A_303, %gather3A_274, %select_n3A_220 : vector<16xi1>, vector<16xf32>
      %sub3A_311 = arith.subi %select_n3A_263, %select_n3A_262 : vector<16xi32>
      %gt3A_312 = arith.constant 1 : i32
      %gt3A_313 = vector.broadcast %gt3A_312 : i32 to vector<16xi32>
      %gt3A_314 = arith.cmpi sgt, %sub3A_311, %gt3A_313 : vector<16xi32>
      %shift_right_arithmetic3A_315 = arith.constant 1 : i32
      %shift_right_arithmetic3A_316 = vector.broadcast %shift_right_arithmetic3A_315 : i32 to vector<16xi32>
      %shift_right_arithmetic3A_317 = arith.shrsi %sub3A_311, %shift_right_arithmetic3A_316 : vector<16xi32>
      %add3A_318 = arith.addi %select_n3A_262, %shift_right_arithmetic3A_317 : vector<16xi32>
      %gather3A_319 = tpu.vector_load_idx %arg7[%add3A_17, %add3A_318] : memref<512x105xf32, #tpu.memory_space<vmem>>[vector<16xi32>, vector<16xi32>], vector<16xf32>,
      %sub3A_320 = arith.subi %add3A_318, %select_n3A_262 : vector<16xi32>
      %gather3A_321 = tpu.vector_load_idx %arg10[%sub3A_320] : memref<64xf32, #tpu.memory_space<vmem>>[vector<16xi32>], vector<16xf32>,
      %sub3A_322 = arith.subi %select_n3A_263, %add3A_318 : vector<16xi32>
      %gather3A_323 = tpu.vector_load_idx %arg10[%sub3A_322] : memref<64xf32, #tpu.memory_space<vmem>>[vector<16xi32>], vector<16xf32>,
      %sub3A_324 = arith.subf %gather3A_319, %select_n3A_264 : vector<16xf32>
      %mul3A_325 = arith.mulf %sub3A_324, %gather3A_321 : vector<16xf32>
      %sub3A_326 = arith.subf %select_n3A_265, %gather3A_319 : vector<16xf32>
      %mul3A_327 = arith.mulf %sub3A_326, %gather3A_323 : vector<16xf32>
      %lt3A_328 = arith.cmpi slt, %gather3A_26, %add3A_318 : vector<16xi32>
      %sub3A_329 = arith.subf %mul3A_325, %mul3A_327 : vector<16xf32>
      %sub3A_330 = arith.subf %mul3A_327, %mul3A_325 : vector<16xf32>
      %select_n3A_331 = arith.select %lt3A_328, %sub3A_329, %sub3A_330 : vector<16xi1>, vector<16xf32>
      %abs3A_332 = math.absf %select_n3A_331 : vector<16xf32>
      %neg3A_333 = arith.constant 0.000000e+00 : f32
      %neg3A_334 = vector.broadcast %neg3A_333 : f32 to vector<16xf32>
      %neg3A_335 = arith.subf %neg3A_334, %abs3A_332 : vector<16xf32>
      %exp3A_336 = math.exp %neg3A_335 : vector<16xf32>
      %ge3A_337 = arith.constant 0.000000e+00 : f32
      %ge3A_338 = vector.broadcast %ge3A_337 : f32 to vector<16xf32>
      %ge3A_339 = arith.cmpf oge, %select_n3A_331, %ge3A_338 : vector<16xf32>
      %select_n3A_340 = arith.select %ge3A_339, %broadcast_in_dim3A_5, %exp3A_336 : vector<16xi1>, vector<16xf32>
      %select_n3A_341 = arith.select %gt3A_314, %select_n3A_340, %broadcast_in_dim3A_5 : vector<16xi1>, vector<16xf32>
      %mul3A_342 = arith.mulf %mul3A_297, %select_n3A_341 : vector<16xf32>
      %add3A_343 = arith.constant 1.000000e+00 : f32
      %add3A_344 = vector.broadcast %add3A_343 : f32 to vector<16xf32>
      %add3A_345 = arith.addf %add3A_344, %exp3A_336 : vector<16xf32>
      %select_n3A_346 = arith.select %gt3A_314, %add3A_345, %broadcast_in_dim3A_5 : vector<16xi1>, vector<16xf32>
      %mul3A_347 = arith.mulf %mul3A_302, %select_n3A_346 : vector<16xf32>
      %and3A_348 = arith.andi %gt3A_314, %lt3A_328 : vector<16xi1>
      %not3A_349 = arith.constant dense<true> : vector<16xi1>
      %not3A_350 = arith.xori %lt3A_328, %not3A_349 : vector<16xi1>
      %and3A_351 = arith.andi %gt3A_314, %not3A_350 : vector<16xi1>
      %select_n3A_352 = arith.select %and3A_351, %add3A_318, %select_n3A_262 : vector<16xi1>, vector<16xi32>
      %select_n3A_353 = arith.select %and3A_348, %add3A_318, %select_n3A_263 : vector<16xi1>, vector<16xi32>
      %select_n3A_354 = arith.select %and3A_351, %gather3A_319, %select_n3A_264 : vector<16xi1>, vector<16xf32>
      %select_n3A_355 = arith.select %and3A_348, %gather3A_319, %select_n3A_265 : vector<16xi1>, vector<16xf32>
      %sub3A_356 = arith.subi %select_n3A_308, %select_n3A_307 : vector<16xi32>
      %gt3A_357 = arith.constant 1 : i32
      %gt3A_358 = vector.broadcast %gt3A_357 : i32 to vector<16xi32>
      %gt3A_359 = arith.cmpi sgt, %sub3A_356, %gt3A_358 : vector<16xi32>
      %shift_right_arithmetic3A_360 = arith.constant 1 : i32
      %shift_right_arithmetic3A_361 = vector.broadcast %shift_right_arithmetic3A_360 : i32 to vector<16xi32>
      %shift_right_arithmetic3A_362 = arith.shrsi %sub3A_356, %shift_right_arithmetic3A_361 : vector<16xi32>
      %add3A_363 = arith.addi %select_n3A_307, %shift_right_arithmetic3A_362 : vector<16xi32>
      %gather3A_364 = tpu.vector_load_idx %arg7[%add3A_17, %add3A_363] : memref<512x105xf32, #tpu.memory_space<vmem>>[vector<16xi32>, vector<16xi32>], vector<16xf32>,
      %sub3A_365 = arith.subi %add3A_363, %select_n3A_307 : vector<16xi32>
      %gather3A_366 = tpu.vector_load_idx %arg10[%sub3A_365] : memref<64xf32, #tpu.memory_space<vmem>>[vector<16xi32>], vector<16xf32>,
      %sub3A_367 = arith.subi %select_n3A_308, %add3A_363 : vector<16xi32>
      %gather3A_368 = tpu.vector_load_idx %arg10[%sub3A_367] : memref<64xf32, #tpu.memory_space<vmem>>[vector<16xi32>], vector<16xf32>,
      %sub3A_369 = arith.subf %gather3A_364, %select_n3A_309 : vector<16xf32>
      %mul3A_370 = arith.mulf %sub3A_369, %gather3A_366 : vector<16xf32>
      %sub3A_371 = arith.subf %select_n3A_310, %gather3A_364 : vector<16xf32>
      %mul3A_372 = arith.mulf %sub3A_371, %gather3A_368 : vector<16xf32>
      %lt3A_373 = arith.cmpi slt, %get3A_25, %add3A_363 : vector<16xi32>
      %sub3A_374 = arith.subf %mul3A_370, %mul3A_372 : vector<16xf32>
      %sub3A_375 = arith.subf %mul3A_372, %mul3A_370 : vector<16xf32>
      %select_n3A_376 = arith.select %lt3A_373, %sub3A_374, %sub3A_375 : vector<16xi1>, vector<16xf32>
      %abs3A_377 = math.absf %select_n3A_376 : vector<16xf32>
      %neg3A_378 = arith.constant 0.000000e+00 : f32
      %neg3A_379 = vector.broadcast %neg3A_378 : f32 to vector<16xf32>
      %neg3A_380 = arith.subf %neg3A_379, %abs3A_377 : vector<16xf32>
      %exp3A_381 = math.exp %neg3A_380 : vector<16xf32>
      %ge3A_382 = arith.constant 0.000000e+00 : f32
      %ge3A_383 = vector.broadcast %ge3A_382 : f32 to vector<16xf32>
      %ge3A_384 = arith.cmpf oge, %select_n3A_376, %ge3A_383 : vector<16xf32>
      %select_n3A_385 = arith.select %ge3A_384, %broadcast_in_dim3A_5, %exp3A_381 : vector<16xi1>, vector<16xf32>
      %select_n3A_386 = arith.select %gt3A_359, %select_n3A_385, %broadcast_in_dim3A_5 : vector<16xi1>, vector<16xf32>
      %mul3A_387 = arith.mulf %mul3A_342, %select_n3A_386 : vector<16xf32>
      %add3A_388 = arith.constant 1.000000e+00 : f32
      %add3A_389 = vector.broadcast %add3A_388 : f32 to vector<16xf32>
      %add3A_390 = arith.addf %add3A_389, %exp3A_381 : vector<16xf32>
      %select_n3A_391 = arith.select %gt3A_359, %add3A_390, %broadcast_in_dim3A_5 : vector<16xi1>, vector<16xf32>
      %mul3A_392 = arith.mulf %mul3A_347, %select_n3A_391 : vector<16xf32>
      %and3A_393 = arith.andi %gt3A_359, %lt3A_373 : vector<16xi1>
      %not3A_394 = arith.constant dense<true> : vector<16xi1>
      %not3A_395 = arith.xori %lt3A_373, %not3A_394 : vector<16xi1>
      %and3A_396 = arith.andi %gt3A_359, %not3A_395 : vector<16xi1>
      %select_n3A_397 = arith.select %and3A_396, %add3A_363, %select_n3A_307 : vector<16xi1>, vector<16xi32>
      %select_n3A_398 = arith.select %and3A_393, %add3A_363, %select_n3A_308 : vector<16xi1>, vector<16xi32>
      %select_n3A_399 = arith.select %and3A_396, %gather3A_364, %select_n3A_309 : vector<16xi1>, vector<16xf32>
      %select_n3A_400 = arith.select %and3A_393, %gather3A_364, %select_n3A_310 : vector<16xi1>, vector<16xf32>
      %sub3A_401 = arith.subi %select_n3A_353, %select_n3A_352 : vector<16xi32>
      %gt3A_402 = arith.constant 1 : i32
      %gt3A_403 = vector.broadcast %gt3A_402 : i32 to vector<16xi32>
      %gt3A_404 = arith.cmpi sgt, %sub3A_401, %gt3A_403 : vector<16xi32>
      %shift_right_arithmetic3A_405 = arith.constant 1 : i32
      %shift_right_arithmetic3A_406 = vector.broadcast %shift_right_arithmetic3A_405 : i32 to vector<16xi32>
      %shift_right_arithmetic3A_407 = arith.shrsi %sub3A_401, %shift_right_arithmetic3A_406 : vector<16xi32>
      %add3A_408 = arith.addi %select_n3A_352, %shift_right_arithmetic3A_407 : vector<16xi32>
      %gather3A_409 = tpu.vector_load_idx %arg7[%add3A_17, %add3A_408] : memref<512x105xf32, #tpu.memory_space<vmem>>[vector<16xi32>, vector<16xi32>], vector<16xf32>,
      %sub3A_410 = arith.subi %add3A_408, %select_n3A_352 : vector<16xi32>
      %gather3A_411 = tpu.vector_load_idx %arg10[%sub3A_410] : memref<64xf32, #tpu.memory_space<vmem>>[vector<16xi32>], vector<16xf32>,
      %sub3A_412 = arith.subi %select_n3A_353, %add3A_408 : vector<16xi32>
      %gather3A_413 = tpu.vector_load_idx %arg10[%sub3A_412] : memref<64xf32, #tpu.memory_space<vmem>>[vector<16xi32>], vector<16xf32>,
      %sub3A_414 = arith.subf %gather3A_409, %select_n3A_354 : vector<16xf32>
      %mul3A_415 = arith.mulf %sub3A_414, %gather3A_411 : vector<16xf32>
      %sub3A_416 = arith.subf %select_n3A_355, %gather3A_409 : vector<16xf32>
      %mul3A_417 = arith.mulf %sub3A_416, %gather3A_413 : vector<16xf32>
      %lt3A_418 = arith.cmpi slt, %gather3A_26, %add3A_408 : vector<16xi32>
      %sub3A_419 = arith.subf %mul3A_415, %mul3A_417 : vector<16xf32>
      %sub3A_420 = arith.subf %mul3A_417, %mul3A_415 : vector<16xf32>
      %select_n3A_421 = arith.select %lt3A_418, %sub3A_419, %sub3A_420 : vector<16xi1>, vector<16xf32>
      %abs3A_422 = math.absf %select_n3A_421 : vector<16xf32>
      %neg3A_423 = arith.constant 0.000000e+00 : f32
      %neg3A_424 = vector.broadcast %neg3A_423 : f32 to vector<16xf32>
      %neg3A_425 = arith.subf %neg3A_424, %abs3A_422 : vector<16xf32>
      %exp3A_426 = math.exp %neg3A_425 : vector<16xf32>
      %ge3A_427 = arith.constant 0.000000e+00 : f32
      %ge3A_428 = vector.broadcast %ge3A_427 : f32 to vector<16xf32>
      %ge3A_429 = arith.cmpf oge, %select_n3A_421, %ge3A_428 : vector<16xf32>
      %select_n3A_430 = arith.select %ge3A_429, %broadcast_in_dim3A_5, %exp3A_426 : vector<16xi1>, vector<16xf32>
      %select_n3A_431 = arith.select %gt3A_404, %select_n3A_430, %broadcast_in_dim3A_5 : vector<16xi1>, vector<16xf32>
      %mul3A_432 = arith.mulf %mul3A_387, %select_n3A_431 : vector<16xf32>
      %add3A_433 = arith.constant 1.000000e+00 : f32
      %add3A_434 = vector.broadcast %add3A_433 : f32 to vector<16xf32>
      %add3A_435 = arith.addf %add3A_434, %exp3A_426 : vector<16xf32>
      %select_n3A_436 = arith.select %gt3A_404, %add3A_435, %broadcast_in_dim3A_5 : vector<16xi1>, vector<16xf32>
      %mul3A_437 = arith.mulf %mul3A_392, %select_n3A_436 : vector<16xf32>
      %and3A_438 = arith.andi %gt3A_404, %lt3A_418 : vector<16xi1>
      %not3A_439 = arith.constant dense<true> : vector<16xi1>
      %not3A_440 = arith.xori %lt3A_418, %not3A_439 : vector<16xi1>
      %and3A_441 = arith.andi %gt3A_404, %not3A_440 : vector<16xi1>
      %select_n3A_442 = arith.select %and3A_441, %add3A_408, %select_n3A_352 : vector<16xi1>, vector<16xi32>
      %select_n3A_443 = arith.select %and3A_438, %add3A_408, %select_n3A_353 : vector<16xi1>, vector<16xi32>
      %select_n3A_444 = arith.select %and3A_441, %gather3A_409, %select_n3A_354 : vector<16xi1>, vector<16xf32>
      %select_n3A_445 = arith.select %and3A_438, %gather3A_409, %select_n3A_355 : vector<16xi1>, vector<16xf32>
      %sub3A_446 = arith.subi %select_n3A_398, %select_n3A_397 : vector<16xi32>
      %gt3A_447 = arith.constant 1 : i32
      %gt3A_448 = vector.broadcast %gt3A_447 : i32 to vector<16xi32>
      %gt3A_449 = arith.cmpi sgt, %sub3A_446, %gt3A_448 : vector<16xi32>
      %shift_right_arithmetic3A_450 = arith.constant 1 : i32
      %shift_right_arithmetic3A_451 = vector.broadcast %shift_right_arithmetic3A_450 : i32 to vector<16xi32>
      %shift_right_arithmetic3A_452 = arith.shrsi %sub3A_446, %shift_right_arithmetic3A_451 : vector<16xi32>
      %add3A_453 = arith.addi %select_n3A_397, %shift_right_arithmetic3A_452 : vector<16xi32>
      %gather3A_454 = tpu.vector_load_idx %arg7[%add3A_17, %add3A_453] : memref<512x105xf32, #tpu.memory_space<vmem>>[vector<16xi32>, vector<16xi32>], vector<16xf32>,
      %sub3A_455 = arith.subi %add3A_453, %select_n3A_397 : vector<16xi32>
      %gather3A_456 = tpu.vector_load_idx %arg10[%sub3A_455] : memref<64xf32, #tpu.memory_space<vmem>>[vector<16xi32>], vector<16xf32>,
      %sub3A_457 = arith.subi %select_n3A_398, %add3A_453 : vector<16xi32>
      %gather3A_458 = tpu.vector_load_idx %arg10[%sub3A_457] : memref<64xf32, #tpu.memory_space<vmem>>[vector<16xi32>], vector<16xf32>,
      %sub3A_459 = arith.subf %gather3A_454, %select_n3A_399 : vector<16xf32>
      %mul3A_460 = arith.mulf %sub3A_459, %gather3A_456 : vector<16xf32>
      %sub3A_461 = arith.subf %select_n3A_400, %gather3A_454 : vector<16xf32>
      %mul3A_462 = arith.mulf %sub3A_461, %gather3A_458 : vector<16xf32>
      %lt3A_463 = arith.cmpi slt, %get3A_25, %add3A_453 : vector<16xi32>
      %sub3A_464 = arith.subf %mul3A_460, %mul3A_462 : vector<16xf32>
      %sub3A_465 = arith.subf %mul3A_462, %mul3A_460 : vector<16xf32>
      %select_n3A_466 = arith.select %lt3A_463, %sub3A_464, %sub3A_465 : vector<16xi1>, vector<16xf32>
      %abs3A_467 = math.absf %select_n3A_466 : vector<16xf32>
      %neg3A_468 = arith.constant 0.000000e+00 : f32
      %neg3A_469 = vector.broadcast %neg3A_468 : f32 to vector<16xf32>
      %neg3A_470 = arith.subf %neg3A_469, %abs3A_467 : vector<16xf32>
      %exp3A_471 = math.exp %neg3A_470 : vector<16xf32>
      %ge3A_472 = arith.constant 0.000000e+00 : f32
      %ge3A_473 = vector.broadcast %ge3A_472 : f32 to vector<16xf32>
      %ge3A_474 = arith.cmpf oge, %select_n3A_466, %ge3A_473 : vector<16xf32>
      %select_n3A_475 = arith.select %ge3A_474, %broadcast_in_dim3A_5, %exp3A_471 : vector<16xi1>, vector<16xf32>
      %select_n3A_476 = arith.select %gt3A_449, %select_n3A_475, %broadcast_in_dim3A_5 : vector<16xi1>, vector<16xf32>
      %mul3A_477 = arith.mulf %mul3A_432, %select_n3A_476 : vector<16xf32>
      %add3A_478 = arith.constant 1.000000e+00 : f32
      %add3A_479 = vector.broadcast %add3A_478 : f32 to vector<16xf32>
      %add3A_480 = arith.addf %add3A_479, %exp3A_471 : vector<16xf32>
      %select_n3A_481 = arith.select %gt3A_449, %add3A_480, %broadcast_in_dim3A_5 : vector<16xi1>, vector<16xf32>
      %mul3A_482 = arith.mulf %mul3A_437, %select_n3A_481 : vector<16xf32>
      %and3A_483 = arith.andi %gt3A_449, %lt3A_463 : vector<16xi1>
      %not3A_484 = arith.constant dense<true> : vector<16xi1>
      %not3A_485 = arith.xori %lt3A_463, %not3A_484 : vector<16xi1>
      %and3A_486 = arith.andi %gt3A_449, %not3A_485 : vector<16xi1>
      %select_n3A_487 = arith.select %and3A_486, %add3A_453, %select_n3A_397 : vector<16xi1>, vector<16xi32>
      %select_n3A_488 = arith.select %and3A_483, %add3A_453, %select_n3A_398 : vector<16xi1>, vector<16xi32>
      %select_n3A_489 = arith.select %and3A_486, %gather3A_454, %select_n3A_399 : vector<16xi1>, vector<16xf32>
      %select_n3A_490 = arith.select %and3A_483, %gather3A_454, %select_n3A_400 : vector<16xi1>, vector<16xf32>
      %sub3A_491 = arith.subi %select_n3A_443, %select_n3A_442 : vector<16xi32>
      %gt3A_492 = arith.constant 1 : i32
      %gt3A_493 = vector.broadcast %gt3A_492 : i32 to vector<16xi32>
      %gt3A_494 = arith.cmpi sgt, %sub3A_491, %gt3A_493 : vector<16xi32>
      %shift_right_arithmetic3A_495 = arith.constant 1 : i32
      %shift_right_arithmetic3A_496 = vector.broadcast %shift_right_arithmetic3A_495 : i32 to vector<16xi32>
      %shift_right_arithmetic3A_497 = arith.shrsi %sub3A_491, %shift_right_arithmetic3A_496 : vector<16xi32>
      %add3A_498 = arith.addi %select_n3A_442, %shift_right_arithmetic3A_497 : vector<16xi32>
      %gather3A_499 = tpu.vector_load_idx %arg7[%add3A_17, %add3A_498] : memref<512x105xf32, #tpu.memory_space<vmem>>[vector<16xi32>, vector<16xi32>], vector<16xf32>,
      %sub3A_500 = arith.subi %add3A_498, %select_n3A_442 : vector<16xi32>
      %gather3A_501 = tpu.vector_load_idx %arg10[%sub3A_500] : memref<64xf32, #tpu.memory_space<vmem>>[vector<16xi32>], vector<16xf32>,
      %sub3A_502 = arith.subi %select_n3A_443, %add3A_498 : vector<16xi32>
      %gather3A_503 = tpu.vector_load_idx %arg10[%sub3A_502] : memref<64xf32, #tpu.memory_space<vmem>>[vector<16xi32>], vector<16xf32>,
      %sub3A_504 = arith.subf %gather3A_499, %select_n3A_444 : vector<16xf32>
      %mul3A_505 = arith.mulf %sub3A_504, %gather3A_501 : vector<16xf32>
      %sub3A_506 = arith.subf %select_n3A_445, %gather3A_499 : vector<16xf32>
      %mul3A_507 = arith.mulf %sub3A_506, %gather3A_503 : vector<16xf32>
      %lt3A_508 = arith.cmpi slt, %gather3A_26, %add3A_498 : vector<16xi32>
      %sub3A_509 = arith.subf %mul3A_505, %mul3A_507 : vector<16xf32>
      %sub3A_510 = arith.subf %mul3A_507, %mul3A_505 : vector<16xf32>
      %select_n3A_511 = arith.select %lt3A_508, %sub3A_509, %sub3A_510 : vector<16xi1>, vector<16xf32>
      %abs3A_512 = math.absf %select_n3A_511 : vector<16xf32>
      %neg3A_513 = arith.constant 0.000000e+00 : f32
      %neg3A_514 = vector.broadcast %neg3A_513 : f32 to vector<16xf32>
      %neg3A_515 = arith.subf %neg3A_514, %abs3A_512 : vector<16xf32>
      %exp3A_516 = math.exp %neg3A_515 : vector<16xf32>
      %ge3A_517 = arith.constant 0.000000e+00 : f32
      %ge3A_518 = vector.broadcast %ge3A_517 : f32 to vector<16xf32>
      %ge3A_519 = arith.cmpf oge, %select_n3A_511, %ge3A_518 : vector<16xf32>
      %select_n3A_520 = arith.select %ge3A_519, %broadcast_in_dim3A_5, %exp3A_516 : vector<16xi1>, vector<16xf32>
      %select_n3A_521 = arith.select %gt3A_494, %select_n3A_520, %broadcast_in_dim3A_5 : vector<16xi1>, vector<16xf32>
      %mul3A_522 = arith.mulf %mul3A_477, %select_n3A_521 : vector<16xf32>
      %add3A_523 = arith.constant 1.000000e+00 : f32
      %add3A_524 = vector.broadcast %add3A_523 : f32 to vector<16xf32>
      %add3A_525 = arith.addf %add3A_524, %exp3A_516 : vector<16xf32>
      %select_n3A_526 = arith.select %gt3A_494, %add3A_525, %broadcast_in_dim3A_5 : vector<16xi1>, vector<16xf32>
      %mul3A_527 = arith.mulf %mul3A_482, %select_n3A_526 : vector<16xf32>
      %and3A_528 = arith.andi %gt3A_494, %lt3A_508 : vector<16xi1>
      %not3A_529 = arith.constant dense<true> : vector<16xi1>
      %not3A_530 = arith.xori %lt3A_508, %not3A_529 : vector<16xi1>
      %and3A_531 = arith.andi %gt3A_494, %not3A_530 : vector<16xi1>
      %select_n3A_532 = arith.select %and3A_531, %add3A_498, %select_n3A_442 : vector<16xi1>, vector<16xi32>
      %select_n3A_533 = arith.select %and3A_528, %add3A_498, %select_n3A_443 : vector<16xi1>, vector<16xi32>
      %select_n3A_534 = arith.select %and3A_531, %gather3A_499, %select_n3A_444 : vector<16xi1>, vector<16xf32>
      %select_n3A_535 = arith.select %and3A_528, %gather3A_499, %select_n3A_445 : vector<16xi1>, vector<16xf32>
      %sub3A_536 = arith.subi %select_n3A_488, %select_n3A_487 : vector<16xi32>
      %gt3A_537 = arith.constant 1 : i32
      %gt3A_538 = vector.broadcast %gt3A_537 : i32 to vector<16xi32>
      %gt3A_539 = arith.cmpi sgt, %sub3A_536, %gt3A_538 : vector<16xi32>
      %shift_right_arithmetic3A_540 = arith.constant 1 : i32
      %shift_right_arithmetic3A_541 = vector.broadcast %shift_right_arithmetic3A_540 : i32 to vector<16xi32>
      %shift_right_arithmetic3A_542 = arith.shrsi %sub3A_536, %shift_right_arithmetic3A_541 : vector<16xi32>
      %add3A_543 = arith.addi %select_n3A_487, %shift_right_arithmetic3A_542 : vector<16xi32>
      %gather3A_544 = tpu.vector_load_idx %arg7[%add3A_17, %add3A_543] : memref<512x105xf32, #tpu.memory_space<vmem>>[vector<16xi32>, vector<16xi32>], vector<16xf32>,
      %sub3A_545 = arith.subi %add3A_543, %select_n3A_487 : vector<16xi32>
      %gather3A_546 = tpu.vector_load_idx %arg10[%sub3A_545] : memref<64xf32, #tpu.memory_space<vmem>>[vector<16xi32>], vector<16xf32>,
      %sub3A_547 = arith.subi %select_n3A_488, %add3A_543 : vector<16xi32>
      %gather3A_548 = tpu.vector_load_idx %arg10[%sub3A_547] : memref<64xf32, #tpu.memory_space<vmem>>[vector<16xi32>], vector<16xf32>,
      %sub3A_549 = arith.subf %gather3A_544, %select_n3A_489 : vector<16xf32>
      %mul3A_550 = arith.mulf %sub3A_549, %gather3A_546 : vector<16xf32>
      %sub3A_551 = arith.subf %select_n3A_490, %gather3A_544 : vector<16xf32>
      %mul3A_552 = arith.mulf %sub3A_551, %gather3A_548 : vector<16xf32>
      %lt3A_553 = arith.cmpi slt, %get3A_25, %add3A_543 : vector<16xi32>
      %sub3A_554 = arith.subf %mul3A_550, %mul3A_552 : vector<16xf32>
      %sub3A_555 = arith.subf %mul3A_552, %mul3A_550 : vector<16xf32>
      %select_n3A_556 = arith.select %lt3A_553, %sub3A_554, %sub3A_555 : vector<16xi1>, vector<16xf32>
      %abs3A_557 = math.absf %select_n3A_556 : vector<16xf32>
      %neg3A_558 = arith.constant 0.000000e+00 : f32
      %neg3A_559 = vector.broadcast %neg3A_558 : f32 to vector<16xf32>
      %neg3A_560 = arith.subf %neg3A_559, %abs3A_557 : vector<16xf32>
      %exp3A_561 = math.exp %neg3A_560 : vector<16xf32>
      %ge3A_562 = arith.constant 0.000000e+00 : f32
      %ge3A_563 = vector.broadcast %ge3A_562 : f32 to vector<16xf32>
      %ge3A_564 = arith.cmpf oge, %select_n3A_556, %ge3A_563 : vector<16xf32>
      %select_n3A_565 = arith.select %ge3A_564, %broadcast_in_dim3A_5, %exp3A_561 : vector<16xi1>, vector<16xf32>
      %select_n3A_566 = arith.select %gt3A_539, %select_n3A_565, %broadcast_in_dim3A_5 : vector<16xi1>, vector<16xf32>
      %mul3A_567 = arith.mulf %mul3A_522, %select_n3A_566 : vector<16xf32>
      %add3A_568 = arith.constant 1.000000e+00 : f32
      %add3A_569 = vector.broadcast %add3A_568 : f32 to vector<16xf32>
      %add3A_570 = arith.addf %add3A_569, %exp3A_561 : vector<16xf32>
      %select_n3A_571 = arith.select %gt3A_539, %add3A_570, %broadcast_in_dim3A_5 : vector<16xi1>, vector<16xf32>
      %mul3A_572 = arith.mulf %mul3A_527, %select_n3A_571 : vector<16xf32>
      %and3A_573 = arith.andi %gt3A_539, %lt3A_553 : vector<16xi1>
      %not3A_574 = arith.constant dense<true> : vector<16xi1>
      %not3A_575 = arith.xori %lt3A_553, %not3A_574 : vector<16xi1>
      %and3A_576 = arith.andi %gt3A_539, %not3A_575 : vector<16xi1>
      %select_n3A_577 = arith.select %and3A_576, %add3A_543, %select_n3A_487 : vector<16xi1>, vector<16xi32>
      %select_n3A_578 = arith.select %and3A_573, %add3A_543, %select_n3A_488 : vector<16xi1>, vector<16xi32>
      %select_n3A_579 = arith.select %and3A_576, %gather3A_544, %select_n3A_489 : vector<16xi1>, vector<16xf32>
      %select_n3A_580 = arith.select %and3A_573, %gather3A_544, %select_n3A_490 : vector<16xi1>, vector<16xf32>
      %sub3A_581 = arith.subi %select_n3A_533, %select_n3A_532 : vector<16xi32>
      %gt3A_582 = arith.constant 1 : i32
      %gt3A_583 = vector.broadcast %gt3A_582 : i32 to vector<16xi32>
      %gt3A_584 = arith.cmpi sgt, %sub3A_581, %gt3A_583 : vector<16xi32>
      %shift_right_arithmetic3A_585 = arith.constant 1 : i32
      %shift_right_arithmetic3A_586 = vector.broadcast %shift_right_arithmetic3A_585 : i32 to vector<16xi32>
      %shift_right_arithmetic3A_587 = arith.shrsi %sub3A_581, %shift_right_arithmetic3A_586 : vector<16xi32>
      %add3A_588 = arith.addi %select_n3A_532, %shift_right_arithmetic3A_587 : vector<16xi32>
      %gather3A_589 = tpu.vector_load_idx %arg7[%add3A_17, %add3A_588] : memref<512x105xf32, #tpu.memory_space<vmem>>[vector<16xi32>, vector<16xi32>], vector<16xf32>,
      %sub3A_590 = arith.subi %add3A_588, %select_n3A_532 : vector<16xi32>
      %gather3A_591 = tpu.vector_load_idx %arg10[%sub3A_590] : memref<64xf32, #tpu.memory_space<vmem>>[vector<16xi32>], vector<16xf32>,
      %sub3A_592 = arith.subi %select_n3A_533, %add3A_588 : vector<16xi32>
      %gather3A_593 = tpu.vector_load_idx %arg10[%sub3A_592] : memref<64xf32, #tpu.memory_space<vmem>>[vector<16xi32>], vector<16xf32>,
      %sub3A_594 = arith.subf %gather3A_589, %select_n3A_534 : vector<16xf32>
      %mul3A_595 = arith.mulf %sub3A_594, %gather3A_591 : vector<16xf32>
      %sub3A_596 = arith.subf %select_n3A_535, %gather3A_589 : vector<16xf32>
      %mul3A_597 = arith.mulf %sub3A_596, %gather3A_593 : vector<16xf32>
      %lt3A_598 = arith.cmpi slt, %gather3A_26, %add3A_588 : vector<16xi32>
      %sub3A_599 = arith.subf %mul3A_595, %mul3A_597 : vector<16xf32>
      %sub3A_600 = arith.subf %mul3A_597, %mul3A_595 : vector<16xf32>
      %select_n3A_601 = arith.select %lt3A_598, %sub3A_599, %sub3A_600 : vector<16xi1>, vector<16xf32>
      %abs3A_602 = math.absf %select_n3A_601 : vector<16xf32>
      %neg3A_603 = arith.constant 0.000000e+00 : f32
      %neg3A_604 = vector.broadcast %neg3A_603 : f32 to vector<16xf32>
      %neg3A_605 = arith.subf %neg3A_604, %abs3A_602 : vector<16xf32>
      %exp3A_606 = math.exp %neg3A_605 : vector<16xf32>
      %ge3A_607 = arith.constant 0.000000e+00 : f32
      %ge3A_608 = vector.broadcast %ge3A_607 : f32 to vector<16xf32>
      %ge3A_609 = arith.cmpf oge, %select_n3A_601, %ge3A_608 : vector<16xf32>
      %select_n3A_610 = arith.select %ge3A_609, %broadcast_in_dim3A_5, %exp3A_606 : vector<16xi1>, vector<16xf32>
      %select_n3A_611 = arith.select %gt3A_584, %select_n3A_610, %broadcast_in_dim3A_5 : vector<16xi1>, vector<16xf32>
      %mul3A_612 = arith.mulf %mul3A_567, %select_n3A_611 : vector<16xf32>
      %add3A_613 = arith.constant 1.000000e+00 : f32
      %add3A_614 = vector.broadcast %add3A_613 : f32 to vector<16xf32>
      %add3A_615 = arith.addf %add3A_614, %exp3A_606 : vector<16xf32>
      %select_n3A_616 = arith.select %gt3A_584, %add3A_615, %broadcast_in_dim3A_5 : vector<16xi1>, vector<16xf32>
      %mul3A_617 = arith.mulf %mul3A_572, %select_n3A_616 : vector<16xf32>
      %and3A_618 = arith.andi %gt3A_584, %lt3A_598 : vector<16xi1>
      %not3A_619 = arith.constant dense<true> : vector<16xi1>
      %not3A_620 = arith.xori %lt3A_598, %not3A_619 : vector<16xi1>
      %and3A_621 = arith.andi %gt3A_584, %not3A_620 : vector<16xi1>
      %select_n3A_622 = arith.select %and3A_621, %add3A_588, %select_n3A_532 : vector<16xi1>, vector<16xi32>
      %select_n3A_623 = arith.select %and3A_618, %add3A_588, %select_n3A_533 : vector<16xi1>, vector<16xi32>
      %select_n3A_624 = arith.select %and3A_621, %gather3A_589, %select_n3A_534 : vector<16xi1>, vector<16xf32>
      %select_n3A_625 = arith.select %and3A_618, %gather3A_589, %select_n3A_535 : vector<16xi1>, vector<16xf32>
      %bitcast_convert_type3A = tpu.bitcast %mul3A_617 : vector<16xf32> -> vector<16xi32>
      %shift_right_arithmetic3A_626 = arith.constant 23 : i32
      %shift_right_arithmetic3A_627 = vector.broadcast %shift_right_arithmetic3A_626 : i32 to vector<16xi32>
      %shift_right_arithmetic3A_628 = arith.shrsi %bitcast_convert_type3A, %shift_right_arithmetic3A_627 : vector<16xi32>
      %and3A_629 = arith.constant 255 : i32
      %and3A_630 = vector.broadcast %and3A_629 : i32 to vector<16xi32>
      %and3A_631 = arith.andi %shift_right_arithmetic3A_628, %and3A_630 : vector<16xi32>
      %sub3A_632 = arith.constant 127 : i32
      %sub3A_633 = vector.broadcast %sub3A_632 : i32 to vector<16xi32>
      %sub3A_634 = arith.subi %and3A_631, %sub3A_633 : vector<16xi32>
      %and3A_635 = arith.constant 8388607 : i32
      %and3A_636 = vector.broadcast %and3A_635 : i32 to vector<16xi32>
      %and3A_637 = arith.andi %bitcast_convert_type3A, %and3A_636 : vector<16xi32>
      %or3A = arith.constant 1065353216 : i32
      %or3A_638 = vector.broadcast %or3A : i32 to vector<16xi32>
      %or3A_639 = arith.ori %and3A_637, %or3A_638 : vector<16xi32>
      %bitcast_convert_type3A_640 = tpu.bitcast %or3A_639 : vector<16xi32> -> vector<16xf32>
      %sub3A_641 = arith.constant 1.000000e+00 : f32
      %sub3A_642 = vector.broadcast %sub3A_641 : f32 to vector<16xf32>
      %sub3A_643 = arith.subf %bitcast_convert_type3A_640, %sub3A_642 : vector<16xf32>
      %add3A_644 = arith.constant 1.000000e+00 : f32
      %add3A_645 = vector.broadcast %add3A_644 : f32 to vector<16xf32>
      %add3A_646 = arith.addf %bitcast_convert_type3A_640, %add3A_645 : vector<16xf32>
      %div3A = arith.divf %sub3A_643, %add3A_646 : vector<16xf32>
      %mul3A_647 = arith.mulf %div3A, %div3A : vector<16xf32>
      %mul3A_648 = arith.constant 0.0909090936 : f32
      %mul3A_649 = vector.broadcast %mul3A_648 : f32 to vector<16xf32>
      %mul3A_650 = arith.mulf %mul3A_647, %mul3A_649 : vector<16xf32>
      %add3A_651 = arith.constant 0.111111112 : f32
      %add3A_652 = vector.broadcast %add3A_651 : f32 to vector<16xf32>
      %add3A_653 = arith.addf %add3A_652, %mul3A_650 : vector<16xf32>
      %mul3A_654 = arith.mulf %mul3A_647, %add3A_653 : vector<16xf32>
      %add3A_655 = arith.constant 0.142857149 : f32
      %add3A_656 = vector.broadcast %add3A_655 : f32 to vector<16xf32>
      %add3A_657 = arith.addf %add3A_656, %mul3A_654 : vector<16xf32>
      %mul3A_658 = arith.mulf %mul3A_647, %add3A_657 : vector<16xf32>
      %add3A_659 = arith.constant 2.000000e-01 : f32
      %add3A_660 = vector.broadcast %add3A_659 : f32 to vector<16xf32>
      %add3A_661 = arith.addf %add3A_660, %mul3A_658 : vector<16xf32>
      %mul3A_662 = arith.mulf %mul3A_647, %add3A_661 : vector<16xf32>
      %add3A_663 = arith.constant 0.333333343 : f32
      %add3A_664 = vector.broadcast %add3A_663 : f32 to vector<16xf32>
      %add3A_665 = arith.addf %add3A_664, %mul3A_662 : vector<16xf32>
      %mul3A_666 = arith.mulf %mul3A_647, %add3A_665 : vector<16xf32>
      %add3A_667 = arith.constant 1.000000e+00 : f32
      %add3A_668 = vector.broadcast %add3A_667 : f32 to vector<16xf32>
      %add3A_669 = arith.addf %add3A_668, %mul3A_666 : vector<16xf32>
      %convert_element_type3A = arith.sitofp %sub3A_634 : vector<16xi32> to vector<16xf32>
      %mul3A_670 = arith.constant 0.693147182 : f32
      %mul3A_671 = vector.broadcast %mul3A_670 : f32 to vector<16xf32>
      %mul3A_672 = arith.mulf %convert_element_type3A, %mul3A_671 : vector<16xf32>
      %mul3A_673 = arith.constant 2.000000e+00 : f32
      %mul3A_674 = vector.broadcast %mul3A_673 : f32 to vector<16xf32>
      %mul3A_675 = arith.mulf %mul3A_674, %div3A : vector<16xf32>
      %mul3A_676 = arith.mulf %mul3A_675, %add3A_669 : vector<16xf32>
      %add3A_677 = arith.addf %mul3A_672, %mul3A_676 : vector<16xf32>
      %bitcast_convert_type3A_678 = tpu.bitcast %mul3A_612 : vector<16xf32> -> vector<16xi32>
      %shift_right_arithmetic3A_679 = arith.constant 23 : i32
      %shift_right_arithmetic3A_680 = vector.broadcast %shift_right_arithmetic3A_679 : i32 to vector<16xi32>
      %shift_right_arithmetic3A_681 = arith.shrsi %bitcast_convert_type3A_678, %shift_right_arithmetic3A_680 : vector<16xi32>
      %and3A_682 = arith.constant 255 : i32
      %and3A_683 = vector.broadcast %and3A_682 : i32 to vector<16xi32>
      %and3A_684 = arith.andi %shift_right_arithmetic3A_681, %and3A_683 : vector<16xi32>
      %sub3A_685 = arith.constant 127 : i32
      %sub3A_686 = vector.broadcast %sub3A_685 : i32 to vector<16xi32>
      %sub3A_687 = arith.subi %and3A_684, %sub3A_686 : vector<16xi32>
      %and3A_688 = arith.constant 8388607 : i32
      %and3A_689 = vector.broadcast %and3A_688 : i32 to vector<16xi32>
      %and3A_690 = arith.andi %bitcast_convert_type3A_678, %and3A_689 : vector<16xi32>
      %or3A_691 = arith.constant 1065353216 : i32
      %or3A_692 = vector.broadcast %or3A_691 : i32 to vector<16xi32>
      %or3A_693 = arith.ori %and3A_690, %or3A_692 : vector<16xi32>
      %bitcast_convert_type3A_694 = tpu.bitcast %or3A_693 : vector<16xi32> -> vector<16xf32>
      %sub3A_695 = arith.constant 1.000000e+00 : f32
      %sub3A_696 = vector.broadcast %sub3A_695 : f32 to vector<16xf32>
      %sub3A_697 = arith.subf %bitcast_convert_type3A_694, %sub3A_696 : vector<16xf32>
      %add3A_698 = arith.constant 1.000000e+00 : f32
      %add3A_699 = vector.broadcast %add3A_698 : f32 to vector<16xf32>
      %add3A_700 = arith.addf %bitcast_convert_type3A_694, %add3A_699 : vector<16xf32>
      %div3A_701 = arith.divf %sub3A_697, %add3A_700 : vector<16xf32>
      %mul3A_702 = arith.mulf %div3A_701, %div3A_701 : vector<16xf32>
      %mul3A_703 = arith.constant 0.0909090936 : f32
      %mul3A_704 = vector.broadcast %mul3A_703 : f32 to vector<16xf32>
      %mul3A_705 = arith.mulf %mul3A_702, %mul3A_704 : vector<16xf32>
      %add3A_706 = arith.constant 0.111111112 : f32
      %add3A_707 = vector.broadcast %add3A_706 : f32 to vector<16xf32>
      %add3A_708 = arith.addf %add3A_707, %mul3A_705 : vector<16xf32>
      %mul3A_709 = arith.mulf %mul3A_702, %add3A_708 : vector<16xf32>
      %add3A_710 = arith.constant 0.142857149 : f32
      %add3A_711 = vector.broadcast %add3A_710 : f32 to vector<16xf32>
      %add3A_712 = arith.addf %add3A_711, %mul3A_709 : vector<16xf32>
      %mul3A_713 = arith.mulf %mul3A_702, %add3A_712 : vector<16xf32>
      %add3A_714 = arith.constant 2.000000e-01 : f32
      %add3A_715 = vector.broadcast %add3A_714 : f32 to vector<16xf32>
      %add3A_716 = arith.addf %add3A_715, %mul3A_713 : vector<16xf32>
      %mul3A_717 = arith.mulf %mul3A_702, %add3A_716 : vector<16xf32>
      %add3A_718 = arith.constant 0.333333343 : f32
      %add3A_719 = vector.broadcast %add3A_718 : f32 to vector<16xf32>
      %add3A_720 = arith.addf %add3A_719, %mul3A_717 : vector<16xf32>
      %mul3A_721 = arith.mulf %mul3A_702, %add3A_720 : vector<16xf32>
      %add3A_722 = arith.constant 1.000000e+00 : f32
      %add3A_723 = vector.broadcast %add3A_722 : f32 to vector<16xf32>
      %add3A_724 = arith.addf %add3A_723, %mul3A_721 : vector<16xf32>
      %convert_element_type3A_725 = arith.sitofp %sub3A_687 : vector<16xi32> to vector<16xf32>
      %mul3A_726 = arith.constant 0.693147182 : f32
      %mul3A_727 = vector.broadcast %mul3A_726 : f32 to vector<16xf32>
      %mul3A_728 = arith.mulf %convert_element_type3A_725, %mul3A_727 : vector<16xf32>
      %mul3A_729 = arith.constant 2.000000e+00 : f32
      %mul3A_730 = vector.broadcast %mul3A_729 : f32 to vector<16xf32>
      %mul3A_731 = arith.mulf %mul3A_730, %div3A_701 : vector<16xf32>
      %mul3A_732 = arith.mulf %mul3A_731, %add3A_724 : vector<16xf32>
      %add3A_733 = arith.addf %mul3A_728, %mul3A_732 : vector<16xf32>
      %sub3A_734 = arith.subf %add3A_677, %add3A_733 : vector<16xf32>
      %mul3A_735 = arith.constant 5.000000e-01 : f32
      %mul3A_736 = vector.broadcast %mul3A_735 : f32 to vector<16xf32>
      %mul3A_737 = arith.mulf %sub3A_734, %mul3A_736 : vector<16xf32>
      %add3A_738 = arith.addf %scan3A_13, %mul3A_737 : vector<16xf32>
      scf.yield %add3A_738 : vector<16xf32>
    }
    %scan3A_10 = arith.constant 32 : i32
    %swap3A = arith.constant 0 : index
    %swap3A_11 = tpu.vector_load %arg11[%swap3A] {strides = array<i32>} : memref<16xf32, #tpu.memory_space<vmem>>, vector<16xf32>,
    tpu.vector_store %arg11[%swap3A], %scan3A_9 {strides = array<i32>} : memref<16xf32, #tpu.memory_space<vmem>>, vector<16xf32>,
    "tpu.region"() ({
      %run_scoped3A = tpu.sem_alloc : memref<!tpu.dma_semaphore, #tpu.memory_space<semaphore_mem>>
      %dma_start3A = arith.constant 0 : i32
      %dma_start3A_12 = tpu.memref_slice %arg6[%add3A, %dma_start3A] : memref<32x16xf32, #tpu.memory_space<hbm>> -> memref<1x16xf32, #tpu.memory_space<hbm>>
      %dma_start3A_13 = tpu.memref_squeeze %dma_start3A_12 : memref<1x16xf32, #tpu.memory_space<hbm>> -> memref<16xf32, #tpu.memory_space<hbm>>
      %dma_start3A_14 = arith.constant 0 : i32
      %dma_start3A_15 = tpu.memref_slice %arg6[%add3A, %dma_start3A_14] : memref<32x16xf32, #tpu.memory_space<hbm>> -> memref<1x16xf32, #tpu.memory_space<hbm>>
      %dma_start3A_16 = tpu.memref_squeeze %dma_start3A_15 : memref<1x16xf32, #tpu.memory_space<hbm>> -> memref<16xf32, #tpu.memory_space<hbm>>
      tpu.enqueue_dma source(%arg11 : memref<16xf32, #tpu.memory_space<vmem>>) target(%dma_start3A_16 : memref<16xf32, #tpu.memory_space<hbm>>) target_semaphore(%run_scoped3A : memref<!tpu.dma_semaphore, #tpu.memory_space<semaphore_mem>>)
      %dma_wait3A = arith.constant 0 : i32
      %dma_wait3A_17 = tpu.memref_slice %arg6[%add3A, %dma_wait3A] : memref<32x16xf32, #tpu.memory_space<hbm>> -> memref<1x16xf32, #tpu.memory_space<hbm>>
      %dma_wait3A_18 = tpu.memref_squeeze %dma_wait3A_17 : memref<1x16xf32, #tpu.memory_space<hbm>> -> memref<16xf32, #tpu.memory_space<hbm>>
      %dma_wait3A_19 = arith.constant 0 : i32
      %dma_wait3A_20 = tpu.memref_slice %arg6[%add3A, %dma_wait3A_19] : memref<32x16xf32, #tpu.memory_space<hbm>> -> memref<1x16xf32, #tpu.memory_space<hbm>>
      %dma_wait3A_21 = tpu.memref_squeeze %dma_wait3A_20 : memref<1x16xf32, #tpu.memory_space<hbm>> -> memref<16xf32, #tpu.memory_space<hbm>>
      tpu.wait_dma2 semaphore(%run_scoped3A : memref<!tpu.dma_semaphore, #tpu.memory_space<semaphore_mem>>) src(%arg11 : memref<16xf32, #tpu.memory_space<vmem>>) dst(%dma_wait3A_21 : memref<16xf32, #tpu.memory_space<hbm>>)
      tpu.yield
    }) : () -> ()
    return
  }
}

module attributes {stable_mosaic.version = 14 : i64} {
  func.func @_tc_body(%arg0: i32, %arg1: memref<2048x100xf32, #tpu.memory_space<vmem>>, %arg2: memref<2048x1xi32, #tpu.memory_space<vmem>>, %arg3: memref<1x1xf32, #tpu.memory_space<vmem>>) attributes {dimension_semantics = [#tpu.dimension_semantics<arbitrary>], iteration_bounds = array<i64: 8>, scalar_prefetch = 0 : i64, scratch_operands = 0 : i64, tpu.core_type = #tpu.core_type<tc>, window_params = [{transform_indices = @transform_0, window_bounds = array<i64: 2048, 100>}, {transform_indices = @transform_1, window_bounds = array<i64: 2048, 1>}, {pipeline_mode = #tpu.pipeline_mode<synchronous>, transform_indices = @transform_2, window_bounds = array<i64: 1, 1>}]} {
    %get3A = arith.constant 0 : index
    %get3A_0 = arith.constant 0 : index
    %get3A_1 = vector.load %arg1[%get3A, %get3A_0] : memref<2048x100xf32, #tpu.memory_space<vmem>>, vector<2048x100xf32>
    %get3A_2 = arith.constant 0 : index
    %get3A_3 = arith.constant 0 : index
    %get3A_4 = vector.load %arg2[%get3A_2, %get3A_3] : memref<2048x1xi32, #tpu.memory_space<vmem>>, vector<2048x1xi32>
    %iota3A = tpu.iota {dimensions = array<i32: 1>} : vector<2048x100xi32>
    %reduce_max3A = arith.constant dense<0xFF800000> : vector<2048xf32>
    %reduce_max3A_5 = vector.multi_reduction <maximumf>, %get3A_1, %reduce_max3A [1] : vector<2048x100xf32> to vector<2048xf32>
    %broadcast_in_dim3A = vector.shape_cast %reduce_max3A_5 : vector<2048xf32> to vector<2048x1xf32>
    %sub3A = vector.broadcast %broadcast_in_dim3A : vector<2048x1xf32> to vector<2048x100xf32>
    %sub3A_6 = arith.subf %get3A_1, %sub3A : vector<2048x100xf32>
    %exp3A = math.exp %sub3A_6 : vector<2048x100xf32>
    %eq3A = vector.broadcast %get3A_4 : vector<2048x1xi32> to vector<2048x100xi32>
    %eq3A_7 = arith.cmpi eq, %iota3A, %eq3A : vector<2048x100xi32>
    %jit3A = arith.constant 0.000000e+00 : f32
    %broadcast_in_dim3A_8 = vector.broadcast %jit3A : f32 to vector<2048x100xf32>
    %select_n3A = arith.select %eq3A_7, %get3A_1, %broadcast_in_dim3A_8 : vector<2048x100xi1>, vector<2048x100xf32>
    %broadcast_in_dim3A_9 = arith.constant 1.000000e+00 : f32
    %broadcast_in_dim3A_10 = vector.broadcast %broadcast_in_dim3A_9 : f32 to vector<100x1xf32>
    %dot_general3A = arith.constant dense<0.000000e+00> : vector<2048x1xf32>
    %dot_general3A_11 = tpu.matmul %exp3A, %broadcast_in_dim3A_10, %dot_general3A {dimension_numbers = #tpu.dot_dimension_numbers<[1], [0], [0], [1], [0, 0, 1, 1], [], []>, transpose_lhs_hint = false} : vector<2048x100xf32>, vector<100x1xf32>, vector<2048x1xf32> -> vector<2048x1xf32>
    %dot_general3A_12 = arith.constant dense<0.000000e+00> : vector<2048x1xf32>
    %dot_general3A_13 = tpu.matmul %select_n3A, %broadcast_in_dim3A_10, %dot_general3A_12 {dimension_numbers = #tpu.dot_dimension_numbers<[1], [0], [0], [1], [0, 0, 1, 1], [], []>, transpose_lhs_hint = false} : vector<2048x100xf32>, vector<100x1xf32>, vector<2048x1xf32> -> vector<2048x1xf32>
    %broadcast_in_dim3A_14 = vector.shape_cast %reduce_max3A_5 : vector<2048xf32> to vector<2048x1xf32>
    %log3A = math.log %dot_general3A_11 : vector<2048x1xf32>
    %add3A = arith.addf %broadcast_in_dim3A_14, %log3A : vector<2048x1xf32>
    %sub3A_15 = arith.subf %add3A, %dot_general3A_13 : vector<2048x1xf32>
    %reduce_sum3A = vector.shape_cast %sub3A_15 : vector<2048x1xf32> to vector<1x2048x1xf32>
    %reduce_sum3A_16 = arith.constant dense<0.000000e+00> : vector<1xf32>
    %reduce_sum3A_17 = vector.multi_reduction <add>, %reduce_sum3A, %reduce_sum3A_16 [1, 2] : vector<1x2048x1xf32> to vector<1xf32>
    %reduce_sum3A_18 = vector.shape_cast %reduce_sum3A_17 : vector<1xf32> to vector<1x1x1xf32>
    %reduce_sum3A_19 = vector.extract %reduce_sum3A_18[0, 0, 0] : f32 from vector<1x1x1xf32>
    %mul3A = arith.constant 6.10351563E-5 : f32
    %mul3A_20 = arith.mulf %reduce_sum3A_19, %mul3A : f32
    %eq3A_21 = arith.constant 0 : i32
    %eq3A_22 = arith.cmpi eq, %arg0, %eq3A_21 : i32
    %convert_element_type3A = arith.extui %eq3A_22 : i1 to i32
    %cond3A = arith.constant 0 : i32
    %cond3A_23 = arith.cmpi ne, %convert_element_type3A, %cond3A : i32
    scf.if %cond3A_23 {
      %broadcast_in_dim3A_30 = arith.constant 0.000000e+00 : f32
      %broadcast_in_dim3A_31 = vector.broadcast %broadcast_in_dim3A_30 : f32 to vector<1x1xf32>
      %swap3A_32 = arith.constant 0 : index
      %swap3A_33 = arith.constant 0 : index
      %swap3A_34 = vector.load %arg3[%swap3A_32, %swap3A_33] : memref<1x1xf32, #tpu.memory_space<vmem>>, vector<1x1xf32>
      tpu.vector_store %arg3[%swap3A_32, %swap3A_33], %broadcast_in_dim3A_31 {strides = array<i32>} : memref<1x1xf32, #tpu.memory_space<vmem>>, vector<1x1xf32>,
    } else {
    }
    %get3A_24 = arith.constant 0 : index
    %get3A_25 = arith.constant 0 : index
    %get3A_26 = vector.load %arg3[%get3A_24, %get3A_25] : memref<1x1xf32, #tpu.memory_space<vmem>>, vector<1x1xf32>
    %reshape3A = vector.broadcast %mul3A_20 : f32 to vector<1x1xf32>
    %add3A_27 = arith.addf %get3A_26, %reshape3A : vector<1x1xf32>
    %swap3A = arith.constant 0 : index
    %swap3A_28 = arith.constant 0 : index
    %swap3A_29 = vector.load %arg3[%swap3A, %swap3A_28] : memref<1x1xf32, #tpu.memory_space<vmem>>, vector<1x1xf32>
    tpu.vector_store %arg3[%swap3A, %swap3A_28], %add3A_27 {strides = array<i32>} : memref<1x1xf32, #tpu.memory_space<vmem>>, vector<1x1xf32>,
    return
  }
  func.func @transform_0(%arg0: i32) -> (i32, i32) {
    %c0_i32 = arith.constant 0 : i32
    %c0_i32_0 = arith.constant 0 : i32
    return %arg0, %c0_i32 : i32, i32
  }
  func.func @transform_1(%arg0: i32) -> (i32, i32) {
    %c0_i32 = arith.constant 0 : i32
    %c0_i32_0 = arith.constant 0 : i32
    return %arg0, %c0_i32 : i32, i32
  }
  func.func @transform_2(%arg0: i32) -> (i32, i32) {
    %c0_i32 = arith.constant 0 : i32
    %c0_i32_0 = arith.constant 0 : i32
    %c0_i32_1 = arith.constant 0 : i32
    return %c0_i32, %c0_i32_0 : i32, i32
  }
}

module attributes {stable_mosaic.version = 14 : i64} {
  func.func @_pfx_body(%arg0: i32, %arg1: memref<2048x100xf32, #tpu.memory_space<vmem>>, %arg2: memref<100x105xf32, #tpu.memory_space<vmem>>, %arg3: memref<2048x105xf32, #tpu.memory_space<vmem>>) attributes {dimension_semantics = [#tpu.dimension_semantics<arbitrary>], iteration_bounds = array<i64: 8>, scalar_prefetch = 0 : i64, scratch_operands = 0 : i64, tpu.core_type = #tpu.core_type<tc>, window_params = [{transform_indices = @transform_0, window_bounds = array<i64: 2048, 100>}, {pipeline_mode = #tpu.pipeline_mode<synchronous>, transform_indices = @transform_1, window_bounds = array<i64: 100, 105>}, {transform_indices = @transform_2, window_bounds = array<i64: 2048, 105>}]} {
    %get3A = arith.constant 0 : index
    %get3A_0 = arith.constant 0 : index
    %get3A_1 = vector.load %arg1[%get3A, %get3A_0] : memref<2048x100xf32, #tpu.memory_space<vmem>>, vector<2048x100xf32>
    %get3A_2 = arith.constant 0 : index
    %get3A_3 = arith.constant 0 : index
    %get3A_4 = vector.load %arg2[%get3A_2, %get3A_3] : memref<100x105xf32, #tpu.memory_space<vmem>>, vector<100x105xf32>
    %dot_general3A = arith.constant dense<0.000000e+00> : vector<2048x105xf32>
    %dot_general3A_5 = tpu.matmul %get3A_1, %get3A_4, %dot_general3A {dimension_numbers = #tpu.dot_dimension_numbers<[1], [0], [0], [1], [0, 0, 1, 1], [], []>, transpose_lhs_hint = false} : vector<2048x100xf32>, vector<100x105xf32>, vector<2048x105xf32> -> vector<2048x105xf32>
    %swap3A = arith.constant 0 : index
    %swap3A_6 = arith.constant 0 : index
    %swap3A_7 = vector.load %arg3[%swap3A, %swap3A_6] : memref<2048x105xf32, #tpu.memory_space<vmem>>, vector<2048x105xf32>
    tpu.vector_store %arg3[%swap3A, %swap3A_6], %dot_general3A_5 {strides = array<i32>} : memref<2048x105xf32, #tpu.memory_space<vmem>>, vector<2048x105xf32>,
    return
  }
  func.func @transform_0(%arg0: i32) -> (i32, i32) {
    %c0_i32 = arith.constant 0 : i32
    %c0_i32_0 = arith.constant 0 : i32
    return %arg0, %c0_i32 : i32, i32
  }
  func.func @transform_1(%arg0: i32) -> (i32, i32) {
    %c0_i32 = arith.constant 0 : i32
    %c0_i32_0 = arith.constant 0 : i32
    %c0_i32_1 = arith.constant 0 : i32
    return %c0_i32, %c0_i32_0 : i32, i32
  }
  func.func @transform_2(%arg0: i32) -> (i32, i32) {
    %c0_i32 = arith.constant 0 : i32
    %c0_i32_0 = arith.constant 0 : i32
    return %arg0, %c0_i32 : i32, i32
  }
}

</mosaic_0001>

<sc_bundles>
// kernel: _loss.5.cloned.1.call-start
scs
__scs_entry_jumppad:
0x0: {  	(pc) =	sbr.rel $0x88, $3  }
0x1: {  	(tag) =	ssettag $0x0;
	lr =	simm.s32 $0x1  }
0x2: {  	[smem:$0x3F9C] =	sst lr;
	_ =	strace $0xD0000000  }
0x3: {  	_ = 	snop  }
0x4: {  	_ = 	snop  }
0x5: {  	_ = 	snop  }
0x6: {  	_ = 	snop  }
0x7: {  	_ = 	snop  }
__scs_overlays_trampoline_lowered:
0x8: {  	[smem:$0x3FAB] =	sst s0  }
0x9: {  	[smem:$0x3FAC] =	sst s1  }
0xa: {  	[smem:$0x3FAD] =	sst s2  }
0xb: {  	[smem:$0x3FAE] =	sst s3  }
0xc: {  	[smem:$0x3FAF] =	sst s4  }
0xd: {  	[smem:$0x3FB0] =	sst s5  }
0xe: {  	[smem:$0x3FB1] =	sst s6  }
0xf: {  	[smem:$0x3FB2] =	sst s7  }
0x10: {  	[smem:$0x3FB3] =	sst s8  }
0x11: {  	[smem:$0x3FB4] =	sst s9;
	s0 =	simm.s32 @!p0 $0x0  }
0x12: {  	s1 =	sld [smem:$0x3F9A];
	s0 =	simm.s32 @p0 $0x1  }
0x13: {  	[smem:$0x3FB5] =	sst s0;
	s0 =	simm.s32 @!p1 $0x0  }
0x14: {  	s2 =	sld [smem:$0x3F99];
	s0 =	simm.s32 @p1 $0x1  }
0x15: {  	[smem:$0x3FB6] =	sst s0;
	s0 =	simm.s32 @!p2 $0x0  }
0x16: {  	s3 =	sld [smem:$0x3FDB];
	s0 =	simm.s32 @p2 $0x1  }
0x17: {  	s4 =	simm.s32 $0x1BF5;
	[smem:$0x3FB8] =	sst s0  }
0x18: {  	s0 =	sld [smem:$0x3F9B];
	_ =	swait.ge [sflag:s4], $0x0  }
0x19: {  	s7 =	sld [smem:$0x3F9C]  }
0x1a: {  	s8 =	sadd.s32 $0xFFFFE003, lr  }
0x1b: {  	s9 =	sadd.s32 $0xFFFFFEF7, lr;
	s5 =	simm.s32 $0xFFFFFFFF;
	p2 =	slt.u32 s8, $0xFFFFF086  }
0x1c: {  	p1 =	slt.u32 s9, $0xF7A;
	s5 =	simm.s32 @!p2 $0x0  }
0x1d: {  	s5 =	simm.s32 @p1 $0x1;
	p0 =	seq.s32 s7, s2  }
0x1e: {  	s7 =	smul.u32 @!p0 $0xF7A, s2;
	p2 =	seq.s32 @!p0 s5, $0x0  }
0x1f: {  	s9 =	smul.u32 $0xF7A, s1;
	s8 =	simm.s32 @!p0 $0x1BF5;
	p2 =	por !p2, p0  }
0x20: {  	[sflag:s8] =	ssyncset.s32 @!p0 $0xFFFFF086;
	s6 =	sadd.s32 @!p0 s3, s7;
	s7 =	simm.s32 @!p0 $0x108  }
0x21: {  	s3 =	sadd.s32 s3, s9;
	s6 =	sadd.s32 @!p0 $0x88, s6;
	s7 =	simm.s32 @p2 $0x1082  }
0x22: {  	[simem:s7], [sflag:s8] =	dma.local @!p0 [hbm:s6], $0xF7A  }
0x23: {  	s9 =	sor.u32 $0xD0000000, s2;
	s6 =	simm.s32 $0x108;
	_ =	swait.ge @!p0 [sflag:s8], $0x0  }
0x24: {  	s3 =	sadd.s32 $0x88, s3;
	s6 =	simm.s32 @!p1 $0x1082;
	[sflag:s4] =	ssyncset.s32 $0xFFFFF086  }
0x25: {  	[simem:s6], [sflag:s4] =	dma.local [hbm:s3], $0xF7A  }
0x26: {  	[smem:$0x3F9C] =	sst s1;
	(tag) =	ssettag s2;
	_ =	strace s9  }
0x27: {  	s1 =	sld [smem:$0x3FAC]  }
0x28: {  	s2 =	sld [smem:$0x3FAD]  }
0x29: {  	s4 =	sld [smem:$0x3FAF]  }
0x2a: {  	p0 =	seq.s32 s5, $0x0;
	s5 =	sld [smem:$0x3FB0]  }
0x2b: {  	s6 =	sld [smem:$0x3FB1]  }
0x2c: {  	s7 =	sld [smem:$0x3FB2]  }
0x2d: {  	s3 =	simm.s32 $0x108;
	s8 =	sld [smem:$0x3FB3]  }
0x2e: {  	s3 =	simm.s32 @!p0 $0x1082;
	s9 =	sld [smem:$0x3FB4]  }
0x2f: {  	lr =	sadd.s32 s0, s3;
	s0 =	sld [smem:$0x3FAB]  }
0x30: {  	s3 =	sld [smem:$0x3FAE]  }
0x31: {  	[smem:$0x3FB7] =	sst s10  }
0x32: {  	s10 =	sld [smem:$0x3FB5];
	_ =	sdelay $0x3  }
0x33: {  	p0 =	seq.s32 s10, $0x1;
	s10 =	sld [smem:$0x3FB7];
	_ =	sdelay $0x3  }
0x34: {  	[smem:$0x3FB7] =	sst s10  }
0x35: {  	s10 =	sld [smem:$0x3FB6];
	_ =	sdelay $0x3  }
0x36: {  	p1 =	seq.s32 s10, $0x1;
	s10 =	sld [smem:$0x3FB7];
	_ =	sdelay $0x3  }
0x37: {  	[smem:$0x3FB7] =	sst s10  }
0x38: {  	s10 =	sld [smem:$0x3FB8]  }
0x39: {  	_ = 	snop;
	(pc) =	sbr.ind lr, $3  }
0x3a: {  	_ = 	snop  }
0x3b: {  	_ = 	snop  }
0x3c: {  	p2 =	seq.s32 s10, $0x1;
	s10 =	sld [smem:$0x3FB7]  }
0x3d: {  	_ =	shalt  }
0x3e: {  	_ =	shalt  }
0x3f: {  	_ =	shalt  }
0x40: {  	_ =	shalt  }
0x41: {  	_ =	shalt  }
0x42: {  	_ =	shalt  }
0x43: {  	_ =	shalt  }
0x44: {  	_ =	shalt  }
0x45: {  	_ =	shalt  }
0x46: {  	_ =	shalt  }
0x47: {  	_ =	shalt  }
0x48: {  	_ =	shalt  }
0x49: {  	_ =	shalt  }
0x4a: {  	_ =	shalt  }
0x4b: {  	_ =	shalt  }
0x4c: {  	_ =	shalt  }
0x4d: {  	_ =	shalt  }
0x4e: {  	_ =	shalt  }
0x4f: {  	_ =	shalt  }
0x50: {  	_ =	shalt  }
0x51: {  	_ =	shalt  }
0x52: {  	_ =	shalt  }
0x53: {  	_ =	shalt  }
0x54: {  	_ =	shalt  }
0x55: {  	_ =	shalt  }
0x56: {  	_ =	shalt  }
0x57: {  	_ =	shalt  }
0x58: {  	_ =	shalt  }
0x59: {  	_ =	shalt  }
0x5a: {  	_ =	shalt  }
0x5b: {  	_ =	shalt  }
0x5c: {  	_ =	shalt  }
0x5d: {  	_ =	shalt  }
0x5e: {  	_ =	shalt  }
0x5f: {  	_ =	shalt  }
0x60: {  	_ =	shalt  }
0x61: {  	_ =	shalt  }
0x62: {  	_ =	shalt  }
0x63: {  	_ =	shalt  }
0x64: {  	_ =	shalt  }
0x65: {  	_ =	shalt  }
0x66: {  	_ =	shalt  }
0x67: {  	_ =	shalt  }
0x68: {  	_ =	shalt  }
0x69: {  	_ =	shalt  }
0x6a: {  	_ =	shalt  }
0x6b: {  	_ =	shalt  }
0x6c: {  	_ =	shalt  }
0x6d: {  	_ =	shalt  }
0x6e: {  	_ =	shalt  }
0x6f: {  	_ =	shalt  }
0x70: {  	_ =	shalt  }
0x71: {  	_ =	shalt  }
0x72: {  	_ =	shalt  }
0x73: {  	_ =	shalt  }
0x74: {  	_ =	shalt  }
0x75: {  	_ =	shalt  }
0x76: {  	_ =	shalt  }
0x77: {  	_ =	shalt  }
0x78: {  	_ =	shalt  }
0x79: {  	_ =	shalt  }
0x7a: {  	_ =	shalt  }
0x7b: {  	_ =	shalt  }
0x7c: {  	_ =	shalt  }
0x7d: {  	_ =	shalt  }
0x7e: {  	_ =	shalt  }
0x7f: {  	_ =	shalt  }
0x80: {  	_ =	shalt  }
0x81: {  	_ =	shalt  }
0x82: {  	_ =	shalt  }
0x83: {  	_ =	shalt  }
0x84: {  	_ =	shalt  }
0x85: {  	_ =	shalt  }
0x86: {  	_ =	shalt  }
0x87: {  	_ =	shalt  }
.Lfunc_end0:
.L_simem_size_0:
called_computation_lowered:
.L_overlay_start_0:
0x88: {  	s2 =	sld [smem:$0x3FD9]  }
0x89: {  	s3 =	sld [smem:$0x3FFE];
	_ =	sdelay $0x1  }
0x8a: {  	s1 =	srdreg.scid  }
0x8b: {  	s0 =	sand.u32 $0x1, s1  }
0x8c: {  	s17 =	sshll.u32 s0, $0xA;
	s2 =	sadd.s32 s3, s2  }
0x8d: {  	s2 =	sadd.s32 s2, s17  }
0x8e: {  	[smem:$0x3FC3] =	sst s2  }
0x8f: {  	_ = 	snop  }
0x90: {  	s2 =	sld [smem:$0x3FC8]  }
0x91: {  	s18 =	sld [smem:$0x3FC7]  }
0x92: {  	s4 =	sld [smem:$0x3FC6];
	(tm) =	ssettm $0x1  }
0x93: {  	s5 =	sld [smem:$0x3FFB];
	_ =	sdelay $0x3  }
0x94: {  	_ =	strace s5  }
0x95: {  	s5 =	sld [smem:$0x3FFC];
	_ =	sdelay $0x3  }
0x96: {  	_ =	strace s5  }
0x97: {  	s5 =	sld [smem:$0x3FFD];
	_ =	sdelay $0x3  }
0x98: {  	_ =	strace s5  }
0x99: {  	_ =	strace $0x8FFFFFFF  }
0x9a: {  	s19 =	sld [smem:$0x3FDB];
	_ =	sdelay $0x1  }
0x9b: {  	s6 =	simm.s32 $_scs_section_size  }
0x9c: {  	s7 =	simm.s32 $_size__tile_overlayer_lowered;
	s8 =	simm.s32 $_tile_overlayer_lowered  }
0x9d: {  	s22 =	simm.s32 $0x1BFF;
	s21 =	sshll.u32 s8, $0x1;
	s5 =	sadd.s32 s6, s19  }
0x9e: {  	s9 =	simm.s32 $0x0;
	s20 =	sshll.u32 s7, $0x1;
	s7 =	sadd.s32 s21, s5  }
0x9f: {  	[timem:s9], [sflag:s22] =	dma.local [hbm:s7], s20  }
0xa0: {  	_ =	swait.ge [sflag:s22], s20  }
0xa1: {  	s6 =	ssub.s32 $0x0, s20;
	[sflag:s22] =	ssyncset.done $0x0  }
0xa2: {  	[sflag:s22] =	ssyncadd.s32 s6;
	_ =	sdelay $0x1  }
0xa3: {  	s23 =	simm.s32 $0x1B8B  }
0xa4: {  	_ =	swait.ge [sflag:s23], $0x1  }
0xa5: {  	[sflag:s23] =	ssyncset.done $0x0  }
0xa6: {  	s25 =	simm.s32 $0x1B8E;
	s24 =	sld [smem:$0x3FFE];
	[sflag:s23] =	ssyncadd.s32 $0xFFFFFFFF  }
0xa7: {  	s26 =	simm.s32 $execute0_lowered;
	[smem:$0x3FD2] =	sst s25  }
0xa8: {  	s7 =	sshll.u32 s26, $0x1;
	_ =	strace $0x80000046;
	[dreg:$0x1] =	wrdreg $0xFFFFFFFF  }
0xa9: {  	s28 =	simm.s32 $_size_execute0_lowered;
	s5 =	sadd.s32 s5, s7;
	[dreg:$0x0] =	wrdreg $0x0  }
0xaa: {  	s7 =	sshll.u32 s28, $0x1;
	[dreg:$0x2] =	wrdreg s5  }
0xab: {  	[dreg:$0x3] =	wrdreg s7  }
0xac: {  	[dreg:$0x4] =	wrdreg $0xC0  }
0xad: {  	_ =	task [dreg:s9], $0x5FFFF  }
0xae: {  	[dreg:$0x1] =	wrdreg $0xFFFFFFFF  }
0xaf: {  	[dreg:$0x0] =	wrdreg $0x60  }
0xb0: {  	[dreg:$0x2] =	wrdreg s24  }
0xb1: {  	[dreg:$0x3] =	wrdreg s2  }
0xb2: {  	[dreg:$0x4] =	wrdreg s18  }
0xb3: {  	[dreg:$0x5] =	wrdreg s4  }
0xb4: {  	[dreg:$0x6] =	wrdreg $0x9  }
0xb5: {  	_ =	task.clear_ibuf [dreg:s9], $0x7FFFF;
	_ =	strace $0x90000046  }
0xb6: {  	s29 =	simm.s32 $0x9;
	_ =	strace $0x80000048  }
0xb7: {  	_ =	swait.ge [sflag:s29], $0x1  }
0xb8: {  	[sflag:s29] =	ssyncadd.s32 $0xFFFFFFFF  }
0xb9: {  	_ =	strace $0x90000048  }
0xba: {  	_ =	sfence  }
0xbb: {  	s30 =	sld [smem:$0x0];
	_ =	sdelay $0x2  }
0xbc: {  	s31 =	sshll.u32 s1, $0xD;
	s1 =	sshrl.u32 s1, $0x2  }
0xbd: {  	s3 =	sand.u32 $0x4000, s31;
	s1 =	sadd.s32 s1, s30  }
0xbe: {  	s0 =	sor.u32 s3, s0;
	s1 =	sshll.u32 s1, $0x11  }
0xbf: {  	s0 =	sor.u32 s1, s0  }
0xc0: {  	s0 =	sadd.s32 $0x8F2B, s0  }
0xc1: {  	[sflag:s0] =	ssyncadd.remote.s32 $0x1  }
0xc2: {  	_ =	sfence.sel $0xFFFF  }
0xc3: {  	[dreg:$0x0] =	wrdreg $0xFFFFFFFF;
	(pc) =	sbr.abs _section_cstart, $3  }
0xc4: {  	[dreg:$0x1] =	wrdreg $0xFFFFFFFF  }
0xc5: {  	_ =	task.clear_ibuf [dreg:s9], $0x2FFFF;
	_ =	strace $0x9FFFFFFF  }
0xc6: {  	(tm) =	ssettm $0x7FFFFFFF  }
0xc7: {  	_ =	shalt  }
tec
execute0_lowered:
.L_overlay_start_1:
0x0: {  	(tag) =	ssettag $0x1  }
0x1: {  	s5 =	rddreg [dreg:$0x0]  }
0x2: {  	s6 =	rddreg [dreg:$0x1]  }
0x3: {  	s2 =	rddreg [dreg:$0x2]  }
0x4: {  	s3 =	rddreg [dreg:$0x3]  }
0x5: {  	s0 =	rddreg [dreg:$0x4];
	s7 =	srdreg.scid  }
0x6: {  	s1 =	stileid.u32;
	s4 =	simm.s32 $0x0;
	s12 =	simm.s32 $0x10300  }
0x7: {  	s7 =	sand.u32 $0x1, s7;
	s8 =	sshll.u32 s1, $0x1;
	[smem:$0x7FF] =	sst s4  }
0x8: {  	s13 =	simm.s32 $0x0;
	s8 =	sor.u32 s7, s8;
	_ =	strace $0x80000047  }
0x9: {  	s7 =	ssub.s32 $0x2, s7;
	s9 =	sshll.u32 s8, $0xD;
	s10 =	sshll.u32 s8, $0x4  }
0xa: {  	s11 =	sshrl.u32 s7, $0x1;
	s31 =	sshll.u32 s8, $0x6;
	s9 =	sadd.s32 s9, s5  }
0xb: {  	s10 =	sadd.s32 s10, s5;
	s11 =	ssub.s32 s7, s11;
	s6 =	sadd.s32 s6, s31  }
0xc: {  	v0 =	vlaneseq.u32;
	v1 =	vimm.s32 $0x64;
	s5 =	sadd.s32 $0x600, s9;
	s7 =	sadd.s32 $0x40600, s10;
	s8 =	smax.u32 s11, $0x1  }
0xd: {  	v2 =	vimm.s32 $0x32;
	v3 =	vimm.s32 $0x19;
	v0 =	vmul.u32 $0x80, v0;
	s9 =	simm.s32 $0x1;
	s10 =	simm.s32 $0x10200;
	s11 =	simm.s32 $0x10280  }
.LBB2_1:
0xe: {  	[tilespmem:s4], [sflag:$0x1] =	stream.linear.gather [hbm4b:s5+s4], $0x10000, $0x38;
	[tilespmem:$0x10380] =	vst v63  }
0xf: {  	_ =	swait.ge [sflag:s9], $0x10000  }
0x10: {  	[sflag:s9] =	ssyncset.done $0x0  }
0x11: {  	s14 =	simm.s32 $0x10000;
	[sflag:s9] =	ssyncadd.s32 $0xFFFF0000  }
0x12: {  	[tilespmem:s14], [sflag:$0x1] =	stream.linear.gather [hbm4b:s6+s4], $0x200, $0x38;
	[tilespmem:$0x10380] =	vst v63  }
0x13: {  	_ =	swait.ge [sflag:s9], $0x200  }
0x14: {  	[sflag:s9] =	ssyncset.done $0x0  }
0x15: {  	[sflag:s9] =	ssyncadd.s32 $0xFFFFFE00  }
0x16: {  	[tilespmem:s10], [sflag:$0x1] =	stream.linear.gather [hbm4b:s2+s4], $0x80, $0x38;
	[tilespmem:$0x10380] =	vst v63  }
0x17: {  	v4 =	vmov s4;
	_ =	swait.ge [sflag:s9], $0x80  }
0x18: {  	v4 =	vshll.u32 v4, $0x7;
	[sflag:s9] =	ssyncset.done $0x0  }
0x19: {  	v5 =	vor.u32 v0, v4;
	[sflag:s9] =	ssyncadd.s32 $0xFFFFFF80  }
0x1a: {  	v4 =	vor.u32 $0x64, v5;
	[tilespmem:s11], [sflag:$0x1] =	stream.linear.gather [hbm4b:s3+s4], $0x80, $0x38;
	[tilespmem:$0x10380] =	vst v63  }
0x1b: {  	v6 =	vor.u32 $0x32, v5;
	_ =	swait.ge [sflag:s9], $0x80  }
0x1c: {  	[sflag:s9] =	ssyncset.done $0x0  }
0x1d: {  	[sflag:s9] =	ssyncadd.s32 $0xFFFFFF80  }
0x1e: {  	v7 =	vld [tilespmem:s14+$0x0]  }
0x1f: {  	v8 =	vld.idx.msk [tilespmem:v4+s4+$0x0], $0xffff  }
0x20: {  	v9 =	vld.idx.msk [tilespmem:v6+s4+$0x0], $0xffff;
	_ =	sdelay $0x3  }
0x21: {  	vm3 =	vlt.s32 v7, $0x32  }
0x22: {  	v23 =	vimm.s32 $0x0;
	v11 =	vsub.f32 v8, v9;
	v4 =	vsel vm3, $0x0, v2  }
0x23: {  	v10 =	vsel vm3, $0x32, v1;
	v17 =	vsel vm3, $0x0, v9;
	v6 =	vadd.s32 $0x19, v4  }
0x24: {  	v19 =	vsel vm3, v9, v8;
	v11 =	vsub.f32 v9, v11;
	vm0 =	vlt.s32 v7, v6  }
0x25: {  	v15 =	vor.u32 v5, v6;
	v12 =	vsel vm0, v4, v6;
	v13 =	vsel vm0, v6, v10  }
0x26: {  	v10 =	vsub.s32 v10, v6;
	v6 =	vld.idx.msk [tilespmem:v7+s10+$0x0], $0xffff;
	v11 =	vmul.f32 $1.999999960e-02, v11;
	v14 =	vsub.s32 v13, v12  }
0x27: {  	v4 =	vimm.f32 $0.0e+00;
	v16 =	vshra.s32 v14, $0x1;
	vm5 =	vgt.s32 v14, $0x1  }
0x28: {  	v21 =	vsub.f32 $0.0e+00, v11;
	v18 =	vadd.s32 v12, v16;
	v23 =	vsel vm5, $0xFFFFFFFF, v23  }
0x29: {  	v14 =	vsub.s32 v13, v18;
	v20 =	vand.u32 $0x7F, v18;
	v22 =	vand.u32 $0xFFFFFF80, v18  }
0x2a: {  	vm4 =	vge.s32 v7, v18;
	vm1 =	vlt.s32 v7, v18;
	v22 =	vadd.s32 v5, v22  }
0x2b: {  	vm2 =	vmand vm5, vm1;
	vm5 =	vmand vm5, vm4;
	vm4 =	vlt.s32 v6, $0x32  }
0x2c: {  	v24 =	vsel vm4, $0x0, v9;
	v8 =	vsel vm4, v9, v8;
	v9 =	vor.u32 v20, v22  }
0x2d: {  	v20 =	vsel vm5, v18, v12;
	v12 =	vsel vm4, $0x0, v2;
	v22 =	vsel vm4, $0x32, v1  }
0x2e: {  	v13 =	vsel vm2, v18, v13;
	v18 =	vsel vm3, v11, v21;
	v11 =	vsel vm4, v11, v21  }
0x2f: {  	[tilespmem:$0x1FF60] =	vst v23;
	v15 =	vld.idx.msk [tilespmem:v15+s4+$0x0], $0xffff;
	v21 =	vadd.s32 $0x19, v12;
	v23 =	vsub.s32 v13, v20;
	vm4 =	vge.f32 v18, $0.0e+00  }
0x30: {  	v18 =	vand.u32 $0x7FFFFFFF, v18;
	vm6 =	vge.f32 v11, $0.0e+00;
	v11 =	vand.u32 $0x7FFFFFFF, v11  }
0x31: {  	v25 =	vsub.s32 v22, v21;
	v26 =	vor.u32 v5, v21;
	vm8 =	vgt.s32 v23, $0x1  }
0x32: {  	v28 =	vshra.s32 v23, $0x1;
	vm12 =	vlt.s32 v6, v21;
	v18 =	vsub.f32 $0.0e+00, v18  }
0x33: {  	v11 =	vsub.f32 $0.0e+00, v11;
	v23 =	vadd.s32 v20, v28;
	v27 =	vsel vm12, v12, v21  }
0x34: {  	v10 =	vld.idx.msk [tilespmem:v10+s11+$0x0], $0xffff;
	v30 =	vsub.f32 v15, v17;
	v31 =	vsel vm0, v17, v15;
	v21 =	vsel vm12, v21, v22  }
0x35: {  	v17 =	vsub.f32 v19, v15;
	v22 =	vsel vm0, v15, v19;
	v12 =	vand.u32 $0xFFFFFF80, v23  }
0x36: {  	v15 =	vand.u32 $0x7F, v23;
	v33 =	vsub.s32 v13, v23;
	vm7 =	vge.s32 v7, v23  }
0x37: {  	vm3 =	vlt.s32 v7, v23;
	v18 =	vmul.f32 $1.442695020e+00, v18;
	v11 =	vmul.f32 $1.442695020e+00, v11  }
0x38: {  	v29 =	vld.idx.msk [tilespmem:v3+s11+$0x0], $0xffff;
	v19 =	vsub.s32 v21, v27;
	v32 =	vadd.s32 v5, v12;
	v12 =	vimm.s32 $0x0  }
0x39: {  	vm10 =	vgt.s32 v19, $0x1;
	vm7 =	vmand vm8, vm7;
	v10 =	vmul.f32 v10, v17  }
0x3a: {  	v12 =	vsel vm3, $0xFFFFFFFF, v12;
	vm3 =	vmand vm8, vm3;
	v34 =	vsel vm7, v23, v20  }
0x3b: {  	v9 =	vld.idx.msk [tilespmem:v9+s4+$0x0], $0xffff;
	(erf) = vpow2.f32 v18;
	[tilespmem:$0x1FF70] =	vst v12;
	v12 =	vshra.s32 v19, $0x1;
	v19 =	vimm.s32 $0x0  }
0x3c: {  	v18 =	vsel vm3, v23, v13;
	(erf) = vpow2.f32 v11;
	v19 =	vsel vm8, $0xFFFFFFFF, v19  }
0x3d: {  	v57 =	vadd.s32 v27, v12;
	v17 =	vsub.s32 v18, v34;
	[tilespmem:$0x1FF80] =	vst v19;
	v19 =	vmul.f32 v29, v30  }
0x3e: {  	v14 =	vld.idx.msk [tilespmem:v14+s11+$0x0], $0xffff;
	v30 =	vor.u32 v15, v32;
	v15 =	vsub.s32 v21, v57;
	v11 =	vand.u32 $0xFFFFFF80, v57  }
0x3f: {  	v26 =	vld.idx.msk [tilespmem:v26+s4+$0x0], $0xffff;
	v13 =	vand.u32 $0x7F, v57;
	vm13 =	vge.s32 v6, v57;
	vm8 =	vlt.s32 v6, v57  }
0x40: {  	vm9 =	vgt.s32 v17, $0x1;
	v17 =	vshra.s32 v17, $0x1;
	v58 =	vsel vm5, v9, v31  }
0x41: {  	v35 =	vsel vm2, v9, v22;
	v31 =	vsub.f32 v9, v31;
	v9 =	vsub.f32 v22, v9  }
0x42: {  	v11 =	vadd.s32 v5, v11;
	v20 =	vsub.f32 v19, v10;
	v10 =	vsub.f32 v10, v19  }
0x43: {  	vm15 =	vmand vm10, vm13;
	v36 =	vor.u32 v13, v11;
	v9 =	vmul.f32 v14, v9  }
0x44: {  	v14 =	vsub.f32 v26, v24;
	v39 =	vsel vm0, v20, v10;
	v10 =	vimm.s32 $0x0  }
0x45: {  	v11 =	vsel vm15, v57, v27;
	v10 =	vsel vm8, $0xFFFFFFFF, v10;
	vm8 =	vmand vm10, vm8  }
0x46: {  	v27 =	vand.u32 $0x7FFFFFFF, v39;
	v46 =	vmul.f32 v14, v29;
	v14 =	vimm.s32 $0x0  }
0x47: {  	vm11 =	vge.f32 v39, $0.0e+00;
	[tilespmem:$0x1FF90] =	vst v10;
	v10 =	vimm.s32 $0x0;
	v21 =	vsel vm8, v57, v21  }
0x48: {  	v37 =	vpop (erf);
	v27 =	vsub.f32 $0.0e+00, v27;
	v10 =	vsel vm10, $0xFFFFFFFF, v10;
	v23 =	vsub.s32 v21, v11  }
0x49: {  	v30 =	vld.idx.msk [tilespmem:v30+s4+$0x0], $0xffff;
	v38 =	vpop (erf);
	v40 =	vsel vm4, $0x3F800000, v37;
	v37 =	vadd.f32 $1.000000000e+00, v37;
	[tilespmem:$0x1FFA0] =	vst v10;
	v10 =	vadd.s32 v34, v17  }
0x4a: {  	vm4 =	vgt.s32 v23, $0x1;
	v41 =	vsel vm6, $0x3F800000, v38;
	v45 =	vmul.f32 $1.442695020e+00, v27  }
0x4b: {  	v62 =	vadd.f32 $1.000000000e+00, v38;
	v19 =	vsub.s32 v18, v10;
	v13 =	vand.u32 $0xFFFFFF80, v10  }
0x4c: {  	v16 =	vld.idx.msk [tilespmem:v16+s11+$0x0], $0xffff;
	v20 =	vand.u32 $0x7F, v10;
	vm0 =	vge.s32 v7, v10;
	vm10 =	vlt.s32 v7, v10  }
0x4d: {  	v22 =	vadd.s32 v5, v13;
	vm14 =	vmand vm9, vm10;
	v13 =	vimm.s32 $0x0  }
0x4e: {  	vm0 =	vmand vm9, vm0;
	v27 =	vsel vm3, v30, v35;
	(erf) = vpow2.f32 v45  }
0x4f: {  	v60 =	vsub.f32 v30, v58;
	v29 =	vsub.f32 v35, v30;
	v13 =	vsel vm9, $0xFFFFFFFF, v13  }
0x50: {  	v20 =	vor.u32 v20, v22;
	v43 =	vsel vm0, v10, v34;
	v44 =	vsel vm14, v10, v18  }
0x51: {  	v10 =	vmul.f32 v16, v31;
	v16 =	vsub.f32 v8, v26;
	v22 =	vsel vm12, v26, v8  }
0x52: {  	[tilespmem:$0x1FFB0] =	vst v13;
	v13 =	vshra.s32 v23, $0x1;
	v23 =	vsel vm12, v24, v26;
	v31 =	vsub.s32 v44, v43  }
0x53: {  	v24 =	vld.idx.msk [tilespmem:v25+s11+$0x0], $0xffff;
	v26 =	vsel vm7, v30, v58;
	v42 =	vadd.s32 v11, v13;
	v25 =	vsub.f32 v10, v9  }
0x54: {  	v9 =	vsub.f32 v9, v10;
	v10 =	vshra.s32 v31, $0x1;
	vm6 =	vgt.s32 v31, $0x1  }
0x55: {  	v8 =	vand.u32 $0x7F, v42;
	v18 =	vsub.s32 v21, v42;
	v59 =	vand.u32 $0xFFFFFF80, v42  }
0x56: {  	vm2 =	vge.s32 v6, v42;
	v47 =	vadd.s32 v43, v10;
	v9 =	vsel vm1, v25, v9  }
0x57: {  	vm1 =	vlt.s32 v6, v42;
	v25 =	vadd.s32 v5, v59;
	vm3 =	vmand vm4, vm2  }
0x58: {  	vm2 =	vge.s32 v7, v47;
	vm7 =	vlt.s32 v7, v47;
	v14 =	vsel vm1, $0xFFFFFFFF, v14  }
0x59: {  	vm1 =	vmand vm4, vm1;
	v63 =	vand.u32 $0x7FFFFFFF, v9;
	[tilespmem:$0x1FFC0] =	vst v14;
	v14 =	vimm.s32 $0x0  }
0x5a: {  	v16 =	vmul.f32 v24, v16;
	v24 =	vor.u32 v8, v25;
	v25 =	vsel vm3, v42, v11  }
0x5b: {  	v21 =	vsel vm1, v42, v21;
	v8 =	vand.u32 $0xFFFFFF80, v47;
	v11 =	vand.u32 $0x7F, v47  }
0x5c: {  	v38 =	vld.idx.msk [tilespmem:v33+s11+$0x0], $0xffff;
	v33 =	vsub.f32 $0.0e+00, v63;
	v14 =	vsel vm4, $0xFFFFFFFF, v14;
	v61 =	vsub.s32 v21, v25  }
0x5d: {  	v48 =	vld.idx.msk [tilespmem:v28+s11+$0x0], $0xffff;
	v28 =	vadd.s32 v5, v8;
	vm4 =	vmand vm6, vm2;
	v8 =	vmul.f32 v41, v40  }
0x5e: {  	vm2 =	vge.f32 v9, $0.0e+00;
	v9 =	vimm.s32 $0x0;
	[tilespmem:$0x1FFD0] =	vst v14;
	v14 =	vsub.s32 v44, v47  }
0x5f: {  	v34 =	vsub.f32 v46, v16;
	v35 =	vsub.f32 v16, v46;
	v16 =	vshra.s32 v61, $0x1  }
0x60: {  	v28 =	vor.u32 v11, v28;
	v31 =	vsel vm4, v47, v43;
	v9 =	vsel vm6, $0xFFFFFFFF, v9  }
0x61: {  	vm5 =	vmneg vm2;
	vm6 =	vmand vm6, vm7;
	[tilespmem:$0x1FFE0] =	vst v9;
	v9 =	vimm.s32 $0x0  }
0x62: {  	v32 =	vadd.s32 v25, v16;
	v30 =	vsel vm6, v47, v44;
	v9 =	vsel vm7, $0xFFFFFFFF, v9  }
0x63: {  	s15 =	simm.s32 $0x10;
	vm13 =	vgt.s32 v61, $0x1;
	v11 =	vpop (erf);
	[tilespmem:$0x1FFF0] =	vst v9;
	v9 =	vmul.f32 v62, v37;
	v37 =	vld.idx.msk [tilespmem:v36+s4+$0x0], $0xffff;
	v36 =	vmul.f32 v48, v60  }
.LBB2_2:
0x64: {  	v34 =	vsel vm12, v34, v35;
	v57 =	vand.u32 $0xFFFFFF80, v32;
	v39 =	vand.u32 $0x7F, v32  }
0x65: {  	v40 =	vsub.s32 v30, v31;
	vm7 =	vge.s32 v6, v32;
	vm9 =	vlt.s32 v6, v32  }
0x66: {  	v41 =	vimm.s32 $0x0;
	v58 =	vimm.s32 $0x0;
	v60 =	vimm.s32 $0x0  }
0x67: {  	v62 =	vimm.s32 $0x0;
	v45 =	vimm.s32 $0x0;
	v41 =	vsel vm9, $0xFFFFFFFF, v41  }
0x68: {  	v42 =	vld.idx.msk [tilespmem:v15+s11+$0x0], $0xffff;
	vm2 =	vgt.s32 v40, $0x1;
	v59 =	vand.u32 $0x7FFFFFFF, v34;
	v15 =	vadd.s32 v5, v57  }
0x69: {  	v63 =	vld.idx.msk [tilespmem:v12+s11+$0x0], $0xffff;
	v12 =	vshra.s32 v40, $0x1;
	v33 =	vmul.f32 $1.442695020e+00, v33;
	[tilespmem:$0x1FF00] =	vst v41;
	v41 =	vsel vm2, $0xFFFFFFFF, v58  }
0x6a: {  	vm2 =	vge.f32 v34, $0.0e+00;
	v46 =	vsub.f32 $0.0e+00, v59;
	v47 =	vor.u32 v39, v15  }
0x6b: {  	v61 =	vld [tilespmem:$0x1FF60];
	v31 =	vadd.s32 v31, v12;
	v56 =	vmul.f32 v38, v29;
	v29 =	vsub.s32 v21, v32  }
0x6c: {  	v20 =	vld.idx.msk [tilespmem:v20+s4+$0x0], $0xffff;
	v34 =	vsel vm2, $0xFFFFFFFF, v60;
	v38 =	vsel vm13, $0xFFFFFFFF, v45;
	v15 =	vsub.s32 v30, v31  }
0x6d: {  	v17 =	vld.idx.msk [tilespmem:v17+s11+$0x0], $0xffff;
	v48 =	vand.u32 $0x7F, v31;
	(erf) = vpow2.f32 v33;
	v43 =	vsub.f32 v37, v23  }
0x6e: {  	v24 =	vld.idx.msk [tilespmem:v24+s4+$0x0], $0xffff;
	v23 =	vsel vm15, v37, v23;
	v44 =	vsel vm8, v37, v22;
	v22 =	vsub.f32 v22, v37  }
0x6f: {  	v49 =	vld [tilespmem:$0x1FF70];
	vm15 =	vmand vm13, vm9;
	vm8 =	vmand vm13, vm7;
	v52 =	vmul.f32 $1.442695020e+00, v46  }
0x70: {  	v19 =	vld.idx.msk [tilespmem:v19+s11+$0x0], $0xffff;
	vm12 =	vnez.u8 v61;
	v40 =	vsub.f32 v36, v56;
	v35 =	vsub.f32 v56, v36  }
0x71: {  	v57 =	vld [tilespmem:$0x1FFA0];
	v25 =	vsel vm8, v32, v25;
	v21 =	vsel vm15, v32, v21;
	v50 =	vsel vm0, v20, v26  }
0x72: {  	v13 =	vld.idx.msk [tilespmem:v13+s11+$0x0], $0xffff;
	v51 =	vsel vm14, v20, v27;
	v26 =	vsub.f32 v20, v26;
	v20 =	vsub.f32 v27, v20  }
0x73: {  	v18 =	vld.idx.msk [tilespmem:v18+s11+$0x0], $0xffff;
	v56 =	vsel vm11, $0x3F800000, v11;
	v11 =	vadd.f32 $1.000000000e+00, v11;
	v60 =	vsel vm3, v24, v23  }
0x74: {  	v58 =	vld [tilespmem:$0x1FF80];
	v61 =	vsel vm1, v24, v44;
	v23 =	vsub.f32 v24, v23;
	v24 =	vsub.f32 v44, v24  }
0x75: {  	v28 =	vld.idx.msk [tilespmem:v28+s4+$0x0], $0xffff;
	vm2 =	vmand vm12, vm5;
	v30 =	vmul.f32 v63, v43;
	v22 =	vmul.f32 v42, v22  }
0x76: {  	vm5 =	vnez.u8 v49;
	(erf) = vpow2.f32 v52;
	vm13 =	vnez.u8 v57  }
0x77: {  	[tilespmem:$0x1FEF0] =	vst v34;
	v34 =	vsel vm2, $0xFFFFFFFF, v62;
	vm2 =	vlt.s32 v7, v31;
	v7 =	vimm.s32 $0x0  }
0x78: {  	v31 =	vand.u32 $0xFFFFFF80, v31;
	v33 =	vsel vm5, v40, v35;
	v26 =	vmul.f32 v17, v26  }
0x79: {  	v19 =	vmul.f32 v19, v20;
	vm11 =	vnez.u8 v58;
	v9 =	vmul.f32 v11, v9  }
0x7a: {  	v13 =	vmul.f32 v13, v23;
	v18 =	vmul.f32 v18, v24;
	v23 =	vsel vm4, v28, v50  }
0x7b: {  	v24 =	vsel vm6, v28, v51;
	v7 =	vsel vm2, $0xFFFFFFFF, v7;
	v27 =	vadd.s32 v5, v31  }
0x7c: {  	v31 =	vsub.f32 v30, v22;
	v53 =	vand.u32 $0x7FFFFFFF, v33;
	vm0 =	vge.f32 v33, $0.0e+00  }
0x7d: {  	v62 =	vld [tilespmem:$0x1FF90];
	v22 =	vsub.f32 v22, v30;
	[tilespmem:$0x1FF20] =	vst v7;
	v7 =	vsub.s32 v21, v25;
	v63 =	vsub.f32 v26, v19  }
0x7e: {  	v19 =	vsub.f32 v19, v26;
	vm7 =	vgt.s32 v7, $0x1;
	v7 =	vshra.s32 v7, $0x1  }
0x7f: {  	v54 =	vsub.f32 $0.0e+00, v53;
	vm0 =	vmneg vm0;
	v30 =	vadd.s32 v25, v7  }
0x80: {  	vm14 =	vmand vm11, vm0;
	v19 =	vsel vm10, v63, v19;
	v17 =	vsub.s32 v21, v30  }
0x81: {  	v20 =	vand.u32 $0xFFFFFF80, v30;
	v55 =	vand.u32 $0x7F, v30;
	vm9 =	vge.s32 v6, v30  }
0x82: {  	vm2 =	vlt.s32 v6, v30;
	vm0 =	vnez.u8 v62;
	v32 =	vand.u32 $0x7FFFFFFF, v19  }
0x83: {  	vm4 =	vge.f32 v19, $0.0e+00;
	v19 =	vsub.f32 v13, v18;
	v13 =	vsub.f32 v18, v13  }
0x84: {  	v22 =	vsel vm0, v31, v22;
	vm5 =	vmand vm7, vm2;
	vm1 =	vmand vm7, vm9  }
0x85: {  	v10 =	vld.idx.msk [tilespmem:v10+s11+$0x0], $0xffff;
	v31 =	vmul.f32 $1.442695020e+00, v54;
	vm0 =	vge.f32 v22, $0.0e+00;
	v22 =	vand.u32 $0x7FFFFFFF, v22  }
0x86: {  	v14 =	vld.idx.msk [tilespmem:v14+s11+$0x0], $0xffff;
	v59 =	vpop (erf);
	v25 =	vsel vm1, v30, v25;
	v21 =	vsel vm5, v30, v21;
	v11 =	vsub.f32 $0.0e+00, v22  }
0x87: {  	v26 =	vpop (erf);
	vm0 =	vmneg vm0;
	v22 =	vsub.s32 v21, v25;
	(erf) = vpow2.f32 v31  }
0x88: {  	vm3 =	vmand vm13, vm0;
	vm0 =	vgt.s32 v22, $0x1;
	v22 =	vshra.s32 v22, $0x1  }
0x89: {  	v31 =	vsub.f32 v28, v50;
	v28 =	vsub.f32 v51, v28;
	v18 =	vadd.s32 v25, v22  }
0x8a: {  	vm6 =	vmneg vm4;
	v30 =	vld.idx.msk [tilespmem:v47+s4+$0x0], $0xffff;
	v11 =	vmul.f32 $1.442695020e+00, v11;
	vm4 =	vlt.s32 v6, v18  }
0x8b: {  	v6 =	vmul.f32 v10, v31;
	v10 =	vmul.f32 v14, v28;
	v14 =	vsub.s32 v21, v18;
	v21 =	vld [tilespmem:$0x1FFB0]  }
0x8c: {  	(erf) = vpow2.f32 v11;
	v11 =	vld [tilespmem:$0x1FFC0]  }
0x8d: {  	[tilespmem:$0x1FEE0] =	vst v34  }
0x8e: {  	v27 =	vor.u32 v48, v27;
	v37 =	vld [tilespmem:$0x1FEE0]  }
0x8f: {  	v16 =	vld.idx.msk [tilespmem:v16+s11+$0x0], $0xffff;
	v20 =	vadd.s32 v5, v20;
	v25 =	vsub.f32 $0.0e+00, v32  }
0x90: {  	[tilespmem:$0x1FF10] =	vst v38;
	v28 =	vld.idx.msk [tilespmem:v29+s11+$0x0], $0xffff;
	v29 =	vsel vm8, v30, v60;
	v38 =	vsub.f32 v6, v10;
	vm10 =	vnez.u8 v21  }
0x91: {  	v21 =	vand.u32 $0xFFFFFF80, v18;
	v18 =	vand.u32 $0x7F, v18;
	vm8 =	vnez.u8 v11  }
0x92: {  	v5 =	vadd.s32 v5, v21;
	v21 =	vadd.f32 $1.000000000e+00, v59;
	v11 =	vsel vm8, v19, v13  }
0x93: {  	v27 =	vld.idx.msk [tilespmem:v27+s4+$0x0], $0xffff;
	v13 =	vsub.f32 v30, v60;
	vm8 =	vnez.u8 v37;
	v5 =	vor.u32 v18, v5  }
0x94: {  	v18 =	vld [tilespmem:$0x1FEF0];
	v32 =	vnsel vm8, $0x3F800000, v59;
	vm8 =	vge.f32 v11, $0.0e+00;
	v11 =	vand.u32 $0x7FFFFFFF, v11  }
0x95: {  	v6 =	vsub.f32 v10, v6;
	v10 =	vsub.f32 $0.0e+00, v11;
	v11 =	vmul.f32 v16, v13;
	v16 =	vld [tilespmem:$0x1FFD0]  }
0x96: {  	v13 =	vnsel vm12, $0x3F800000, v21;
	v21 =	vld [tilespmem:$0x1FFF0]  }
0x97: {  	v20 =	vor.u32 v55, v20;
	v25 =	vmul.f32 $1.442695020e+00, v25  }
0x98: {  	v8 =	vmul.f32 v56, v8;
	v31 =	vsel vm15, v30, v61  }
0x99: {  	v19 =	vsub.f32 v61, v30;
	v30 =	vpop (erf);
	(erf) = vpow2.f32 v25;
	vm9 =	vnez.u8 v18  }
0x9a: {  	v10 =	vmul.f32 $1.442695020e+00, v10;
	v18 =	vsel vm9, $0x3F800000, v26;
	vm12 =	vnez.u8 v16  }
0x9b: {  	v16 =	vmul.f32 v28, v19;
	vm9 =	vnez.u8 v21;
	v21 =	vsub.f32 v27, v23  }
0x9c: {  	v20 =	vld.idx.msk [tilespmem:v20+s4+$0x0], $0xffff;
	v23 =	vsub.f32 v24, v27;
	v8 =	vmul.f32 v18, v8;
	v25 =	vsel vm9, v38, v6  }
0x9d: {  	v6 =	vpop (erf);
	(erf) = vpow2.f32 v10;
	v10 =	vld [tilespmem:$0x1FF00];
	v18 =	vand.u32 $0x7FFFFFFF, v25;
	v24 =	vsub.f32 v11, v16  }
0x9e: {  	v11 =	vsub.f32 v16, v11;
	v16 =	vsub.f32 $0.0e+00, v18;
	v18 =	vld [tilespmem:$0x1FFE0];
	_ =	sdelay $0x1  }
0x9f: {  	v7 =	vld.idx.msk [tilespmem:v7+s11+$0x0], $0xffff;
	v19 =	vadd.f32 $1.000000000e+00, v26  }
0xa0: {  	v17 =	vld.idx.msk [tilespmem:v17+s11+$0x0], $0xffff  }
0xa1: {  	v9 =	vmul.f32 v19, v9;
	v19 =	vsel vm5, v20, v31  }
0xa2: {  	v12 =	vld.idx.msk [tilespmem:v12+s11+$0x0], $0xffff;
	vm15 =	vnez.u8 v18;
	v18 =	vsel vm1, v20, v29;
	vm1 =	vnez.u8 v10  }
0xa3: {  	v15 =	vld.idx.msk [tilespmem:v15+s11+$0x0], $0xffff;
	v10 =	vsel vm1, v24, v11;
	v11 =	vsub.f32 v20, v29;
	v20 =	vsub.f32 v31, v20;
	_ =	sdelay $0x1  }
0xa4: {  	vm8 =	vmneg vm8;
	v7 =	vmul.f32 v7, v11;
	v11 =	vmul.f32 v17, v20  }
0xa5: {  	vm6 =	vmand vm10, vm6;
	vm8 =	vmand vm12, vm8  }
0xa6: {  	v12 =	vmul.f32 v12, v21;
	v17 =	vsub.f32 v7, v11;
	v7 =	vsub.f32 v11, v7;
	v11 =	vld [tilespmem:$0x1FF20]  }
0xa7: {  	v5 =	vld.idx.msk [tilespmem:v5+s4+$0x0], $0xffff;
	v15 =	vmul.f32 v15, v23;
	v9 =	vmul.f32 v13, v9;
	v13 =	vadd.f32 $1.000000000e+00, v30  }
0xa8: {  	v22 =	vld.idx.msk [tilespmem:v22+s11+$0x0], $0xffff;
	vm9 =	vge.f32 v25, $0.0e+00;
	v8 =	vmul.f32 v32, v8;
	v16 =	vmul.f32 $1.442695020e+00, v16  }
0xa9: {  	v14 =	vld.idx.msk [tilespmem:v14+s11+$0x0], $0xffff;
	v21 =	vnsel vm14, $0x3F800000, v30;
	vm9 =	vmneg vm9;
	v13 =	vnsel vm11, $0x3F800000, v13  }
0xaa: {  	v23 =	vpop (erf);
	(erf) = vpow2.f32 v16;
	v24 =	vsub.f32 v12, v15;
	v12 =	vsub.f32 v15, v12  }
0xab: {  	v15 =	vld [tilespmem:$0x1FF10];
	vm1 =	vge.f32 v10, $0.0e+00;
	v10 =	vand.u32 $0x7FFFFFFF, v10;
	vm11 =	vnez.u8 v11  }
0xac: {  	v11 =	vsel vm11, v24, v12;
	v12 =	vsub.f32 v5, v18;
	v5 =	vsub.f32 v19, v5  }
0xad: {  	vm9 =	vmand vm15, vm9;
	v10 =	vsub.f32 $0.0e+00, v10;
	v7 =	vsel vm2, v17, v7  }
0xae: {  	v16 =	vand.u32 $0x7FFFFFFF, v7;
	v12 =	vmul.f32 v22, v12;
	v5 =	vmul.f32 v14, v5  }
0xaf: {  	[tilespmem:$0x1FF30] =	vst v41;
	vm1 =	vmneg vm1;
	v10 =	vmul.f32 $1.442695020e+00, v10;
	v16 =	vsub.f32 $0.0e+00, v16  }
0xb0: {  	vm5 =	vnez.u8 v15;
	v17 =	vsub.f32 v12, v5;
	v5 =	vsub.f32 v5, v12;
	v12 =	vld [tilespmem:$0x1FF30]  }
0xb1: {  	v15 =	vpop (erf);
	vm1 =	vmand vm5, vm1;
	(erf) = vpow2.f32 v10;
	vm2 =	vge.f32 v11, $0.0e+00  }
0xb2: {  	v10 =	vand.u32 $0x7FFFFFFF, v11;
	v11 =	vmul.f32 $1.442695020e+00, v16;
	v14 =	vnsel vm3, $0x3F800000, v6  }
0xb3: {  	v6 =	vadd.f32 $1.000000000e+00, v6;
	vm2 =	vmneg vm2;
	v10 =	vsub.f32 $0.0e+00, v10  }
0xb4: {  	vm3 =	vge.f32 v7, $0.0e+00;
	v8 =	vmul.f32 v14, v8;
	v5 =	vsel vm4, v17, v5  }
0xb5: {  	v6 =	vnsel vm13, $0x3F800000, v6;
	vm4 =	vnez.u8 v12;
	v12 =	vand.u32 $0x7FFFFFFF, v5  }
0xb6: {  	v10 =	vmul.f32 $1.442695020e+00, v10;
	v14 =	vpop (erf);
	(erf) = vpow2.f32 v11;
	v12 =	vsub.f32 $0.0e+00, v12  }
0xb7: {  	v7 =	vadd.f32 $1.000000000e+00, v15;
	v6 =	vmul.f32 v6, v9;
	v8 =	vmul.f32 v21, v8  }
0xb8: {  	vm3 =	vmneg vm3;
	(erf) = vpow2.f32 v10;
	v12 =	vmul.f32 $1.442695020e+00, v12  }
0xb9: {  	v7 =	vnsel vm12, $0x3F800000, v7;
	v10 =	vnsel vm8, $0x3F800000, v15;
	v6 =	vmul.f32 v13, v6  }
0xba: {  	v11 =	vadd.f32 $1.000000000e+00, v23;
	v9 =	vpop (erf);
	v8 =	vmul.f32 v10, v8;
	(erf) = vpow2.f32 v12  }
0xbb: {  	v10 =	vadd.f32 $1.000000000e+00, v9;
	v6 =	vmul.f32 v7, v6;
	v7 =	vnsel vm6, $0x3F800000, v23  }
0xbc: {  	vm2 =	vmand vm4, vm2;
	v7 =	vmul.f32 v7, v8;
	v8 =	vnsel vm10, $0x3F800000, v11  }
0xbd: {  	v11 =	vnsel vm9, $0x3F800000, v14;
	v6 =	vmul.f32 v8, v6;
	v8 =	vnsel vm1, $0x3F800000, v9  }
0xbe: {  	v9 =	vadd.f32 $1.000000000e+00, v14;
	v7 =	vmul.f32 v8, v7;
	v8 =	vnsel vm5, $0x3F800000, v10  }
0xbf: {  	vm1 =	vmand vm7, vm3;
	vm3 =	vge.f32 v5, $0.0e+00;
	v6 =	vmul.f32 v8, v6;
	v5 =	vpop (erf)  }
0xc0: {  	v10 =	vnsel vm15, $0x3F800000, v9;
	v7 =	vmul.f32 v11, v7;
	v9 =	vadd.f32 $1.000000000e+00, v5  }
0xc1: {  	v6 =	vmul.f32 v10, v6;
	v5 =	vnsel vm1, $0x3F800000, v5;
	vm1 =	vmneg vm3;
	v8 =	vpop (erf)  }
0xc2: {  	v5 =	vmul.f32 v5, v7;
	v7 =	vnsel vm7, $0x3F800000, v9;
	v9 =	vadd.f32 $1.000000000e+00, v8  }
0xc3: {  	vm1 =	vmand vm0, vm1;
	v6 =	vmul.f32 v7, v6;
	v7 =	vnsel vm2, $0x3F800000, v8;
	v8 =	vpop (erf)  }
0xc4: {  	v5 =	vmul.f32 v7, v5;
	v7 =	vnsel vm4, $0x3F800000, v9;
	v9 =	vadd.f32 $1.000000000e+00, v8  }
0xc5: {  	v6 =	vmul.f32 v7, v6;
	v7 =	vnsel vm1, $0x3F800000, v8  }
0xc6: {  	v11 =	vmul.f32 v7, v5;
	v7 =	vnsel vm0, $0x3F800000, v9  }
0xc7: {  	v12 =	vmul.f32 v7, v6  }
0xc8: {  	v10 =	vmov s15;
	v7 =	vand.u32 $0x7FFFFF, v11  }
0xc9: {  	v8 =	vshll.u32 v10, $0x7;
	v10 =	vor.u32 $0x3F800000, v7;
	v9 =	vand.u32 $0x7FFFFF, v12  }
0xca: {  	v13 =	vadd.f32 $1.000000000e+00, v10;
	v9 =	vor.u32 $0x3F800000, v9  }
0xcb: {  	s14 =	sadd.s32 $0x10, s14;
	v5 =	vor.u32 v0, v8;
	v14 =	vadd.f32 $1.000000000e+00, v9  }
0xcc: {  	v8 =	vor.u32 $0x32, v5;
	v7 =	vld [tilespmem:s14+$0x0];
	(erf) = vrcp.f32 v13  }
0xcd: {  	v6 =	vor.u32 $0x64, v5;
	(erf) = vrcp.f32 v14  }
0xce: {  	v46 =	vimm.s32 $0x0;
	v44 =	vimm.s32 $0x0  }
0xcf: {  	v56 =	vimm.s32 $0x0;
	v57 =	vimm.s32 $0x0;
	v11 =	vshrl.u32 v11, $0x17  }
0xd0: {  	v40 =	vimm.s32 $0x0;
	v31 =	vimm.s32 $0x0;
	v11 =	vand.u32 $0xFF, v11  }
0xd1: {  	v10 =	vadd.f32 $-1.000000000e+00, v10;
	v12 =	vshrl.u32 v12, $0x17;
	v8 =	vld.idx.msk [tilespmem:v8+s4+$0x0], $0xffff;
	vm2 =	vlt.s32 v7, $0x32  }
0xd2: {  	v11 =	vadd.s32 $0xFFFFFF81, v11;
	v12 =	vand.u32 $0xFF, v12;
	v15 =	vld.idx.msk [tilespmem:v6+s4+$0x0], $0xffff;
	v6 =	vsel vm2, $0x0, v2  }
0xd3: {  	v43 =	vcvt.s32.f32 v11;
	v9 =	vadd.f32 $-1.000000000e+00, v9;
	v14 =	vadd.s32 $0x19, v6  }
0xd4: {  	v13 =	vsel vm2, $0x32, v1;
	v17 =	vor.u32 v5, v14;
	vm0 =	vlt.s32 v7, v14  }
0xd5: {  	v18 =	vsub.s32 v13, v14;
	v21 =	vsel vm0, v6, v14;
	v14 =	vsel vm0, v14, v13;
	v19 =	vpop (erf)  }
0xd6: {  	v11 =	vadd.s32 $0xFFFFFF81, v12;
	v20 =	vsel vm2, $0x0, v8;
	v13 =	vsub.s32 v14, v21;
	v6 =	vpop (erf)  }
0xd7: {  	v16 =	vsub.f32 v15, v8;
	vm4 =	vgt.s32 v13, $0x1;
	v22 =	vmul.f32 v6, v9  }
0xd8: {  	v31 =	vsel vm4, $0xFFFFFFFF, v31;
	v19 =	vmul.f32 v19, v10;
	v10 =	vshra.s32 v13, $0x1  }
0xd9: {  	v23 =	vadd.s32 v21, v10;
	v9 =	vsub.f32 v8, v16;
	v24 =	vmul.f32 v22, v22  }
0xda: {  	v16 =	vsel vm2, v8, v15;
	v6 =	vld.idx.msk [tilespmem:v7+s10+$0x0], $0xffff;
	v25 =	vmul.f32 v19, v19;
	v13 =	vsub.s32 v14, v23  }
0xdb: {  	v27 =	vand.u32 $0x7F, v23;
	v26 =	vmul.f32 $1.999999960e-02, v9;
	v9 =	vmul.f32 $9.090909360e-02, v24  }
0xdc: {  	v30 =	vand.u32 $0xFFFFFF80, v23;
	vm3 =	vge.s32 v7, v23;
	v28 =	vmul.f32 $9.090909360e-02, v25  }
0xdd: {  	vm6 =	vlt.s32 v7, v23;
	v19 =	vadd.f32 v19, v19;
	v9 =	vadd.f32 $1.111111120e-01, v9  }
0xde: {  	v30 =	vadd.s32 v5, v30;
	vm1 =	vmand vm4, vm6;
	v28 =	vadd.f32 $1.111111120e-01, v28  }
0xdf: {  	[tilespmem:$0x1FF60] =	vst v31;
	vm3 =	vmand vm4, vm3;
	vm4 =	vlt.s32 v6, $0x32;
	v31 =	vmul.f32 v9, v24  }
0xe0: {  	v22 =	vadd.f32 v22, v22;
	v28 =	vmul.f32 v28, v25;
	v9 =	vsel vm4, $0x0, v8  }
0xe1: {  	v8 =	vsel vm4, v8, v15;
	v15 =	vsel vm3, v23, v21;
	v21 =	vadd.f32 $1.428571490e-01, v31  }
0xe2: {  	v27 =	vor.u32 v27, v30;
	v29 =	vsub.f32 $0.0e+00, v26;
	v28 =	vadd.f32 $1.428571490e-01, v28  }
0xe3: {  	v30 =	vsel vm4, $0x0, v2;
	v23 =	vsel vm1, v23, v14;
	v21 =	vmul.f32 v21, v24  }
0xe4: {  	v14 =	vsel vm2, v26, v29;
	v26 =	vsel vm4, v26, v29;
	v28 =	vmul.f32 v28, v25  }
0xe5: {  	v29 =	vadd.s32 $0x19, v30;
	v39 =	vsub.s32 v23, v15;
	v21 =	vadd.f32 $2.000000030e-01, v21  }
0xe6: {  	vm2 =	vge.f32 v14, $0.0e+00;
	v41 =	vand.u32 $0x7FFFFFFF, v14;
	v28 =	vadd.f32 $2.000000030e-01, v28  }
0xe7: {  	v14 =	vimm.s32 $0x0;
	v42 =	vor.u32 v5, v29;
	v21 =	vmul.f32 v21, v24  }
0xe8: {  	vm12 =	vlt.s32 v6, v29;
	v31 =	vsel vm4, $0x32, v1;
	v28 =	vmul.f32 v28, v25  }
0xe9: {  	v17 =	vld.idx.msk [tilespmem:v17+s4+$0x0], $0xffff;
	v33 =	vsel vm2, $0xFFFFFFFF, v40;
	vm2 =	vge.f32 v26, $0.0e+00;
	v21 =	vadd.f32 $3.333333430e-01, v21  }
0xea: {  	v26 =	vand.u32 $0x7FFFFFFF, v26;
	v14 =	vsel vm2, $0xFFFFFFFF, v14;
	v28 =	vadd.f32 $3.333333430e-01, v28  }
0xeb: {  	v18 =	vld.idx.msk [tilespmem:v18+s11+$0x0], $0xffff;
	vm5 =	vgt.s32 v39, $0x1;
	[tilespmem:$0x1FF50] =	vst v14;
	v14 =	vsub.s32 v31, v29;
	v12 =	vmul.f32 v21, v24  }
0xec: {  	v21 =	vmul.f32 v28, v25;
	v24 =	vcvt.s32.f32 v11;
	v11 =	vshra.s32 v39, $0x1  }
0xed: {  	v25 =	vmul.f32 $6.931471820e-01, v43;
	v28 =	vsel vm12, v30, v29;
	v29 =	vsel vm12, v29, v31  }
0xee: {  	v30 =	vsub.f32 v16, v17;
	v31 =	vsel vm0, v17, v16;
	v12 =	vadd.f32 $1.000000000e+00, v12  }
0xef: {  	v45 =	vsub.s32 v29, v28;
	v21 =	vadd.f32 $1.000000000e+00, v21;
	v24 =	vmul.f32 $6.931471820e-01, v24  }
0xf0: {  	vm10 =	vgt.s32 v45, $0x1;
	v18 =	vmul.f32 v18, v30;
	v12 =	vmul.f32 v12, v22  }
0xf1: {  	v19 =	vmul.f32 v21, v19;
	v22 =	vsub.f32 $0.0e+00, v26;
	v26 =	vadd.s32 v15, v11  }
0xf2: {  	v21 =	vsub.f32 $0.0e+00, v41;
	v16 =	vsub.s32 v23, v26;
	vm2 =	vge.s32 v7, v26  }
0xf3: {  	vm7 =	vlt.s32 v7, v26;
	v12 =	vadd.f32 v12, v24;
	v19 =	vadd.f32 v19, v25  }
0xf4: {  	v25 =	vsub.f32 v17, v20;
	v20 =	vsel vm0, v20, v17;
	v17 =	vand.u32 $0xFFFFFF80, v26  }
0xf5: {  	v24 =	vld.idx.msk [tilespmem:v3+s11+$0x0], $0xffff;
	v32 =	vsel vm7, $0xFFFFFFFF, v44;
	v21 =	vmul.f32 $1.442695020e+00, v21;
	vm7 =	vmand vm5, vm7  }
0xf6: {  	[tilespmem:$0x1FF70] =	vst v32;
	v32 =	vsel vm5, $0xFFFFFFFF, v46;
	vm5 =	vmand vm5, vm2;
	v12 =	vsub.f32 v12, v19  }
0xf7: {  	v17 =	vadd.s32 v5, v17;
	v19 =	vand.u32 $0x7F, v26;
	v47 =	vsel vm5, v26, v15  }
0xf8: {  	(erf) = vpow2.f32 v21;
	v21 =	vsel vm7, v26, v23;
	v12 =	vmul.f32 $5.000000000e-01, v12  }
0xf9: {  	v22 =	vmul.f32 $1.442695020e+00, v22;
	v30 =	vor.u32 v19, v17;
	v23 =	vsub.s32 v21, v47  }
0xfa: {  	v25 =	vmul.f32 v24, v25;
	v4 =	vadd.f32 v12, v4;
	v12 =	vshra.s32 v45, $0x1  }
0xfb: {  	(erf) = vpow2.f32 v22;
	vm9 =	vgt.s32 v23, $0x1;
	v19 =	vadd.s32 v28, v12  }
0xfc: {  	v26 =	vsub.f32 v25, v18;
	v18 =	vsub.f32 v18, v25;
	v15 =	vsub.s32 v29, v19  }
0xfd: {  	v17 =	vand.u32 $0xFFFFFF80, v19;
	v22 =	vand.u32 $0x7F, v19;
	vm2 =	vge.s32 v6, v19  }
0xfe: {  	v25 =	vld.idx.msk [tilespmem:v27+s4+$0x0], $0xffff;
	vm8 =	vlt.s32 v6, v19;
	v27 =	vadd.s32 v5, v17;
	v17 =	vimm.s32 $0x0  }
0xff: {  	vm15 =	vmand vm10, vm2;
	v18 =	vsel vm0, v26, v18;
	v17 =	vsel vm8, $0xFFFFFFFF, v17  }
0x100: {  	vm8 =	vmand vm10, vm8;
	v48 =	vor.u32 v22, v27;
	v27 =	vsel vm15, v19, v28  }
0x101: {  	v30 =	vld.idx.msk [tilespmem:v30+s4+$0x0], $0xffff;
	vm4 =	vge.f32 v18, $0.0e+00;
	[tilespmem:$0x1FF90] =	vst v17;
	v17 =	vimm.s32 $0x0;
	v26 =	vsel vm8, v19, v29  }
0x102: {  	v63 =	vld.idx.msk [tilespmem:v11+s11+$0x0], $0xffff;
	v18 =	vand.u32 $0x7FFFFFFF, v18;
	v17 =	vsel vm10, $0xFFFFFFFF, v17;
	v49 =	vsub.s32 v26, v27  }
0x103: {  	v28 =	vld.idx.msk [tilespmem:v13+s11+$0x0], $0xffff;
	v51 =	vsel vm3, v25, v20;
	v52 =	vsel vm1, v25, v31;
	v54 =	vsub.f32 v25, v20  }
0x104: {  	v50 =	vpop (erf);
	v25 =	vsub.f32 v31, v25;
	v31 =	vsub.f32 $0.0e+00, v18;
	[tilespmem:$0x1FFA0] =	vst v17;
	v17 =	vshra.s32 v23, $0x1  }
0x105: {  	v29 =	vld.idx.msk [tilespmem:v42+s4+$0x0], $0xffff;
	v45 =	vadd.f32 $1.000000000e+00, v50;
	vm11 =	vgt.s32 v49, $0x1;
	v22 =	vadd.s32 v47, v17  }
0x106: {  	v36 =	vsub.f32 v30, v51;
	v31 =	vmul.f32 $1.442695020e+00, v31;
	v19 =	vsub.s32 v21, v22  }
0x107: {  	v10 =	vld.idx.msk [tilespmem:v10+s11+$0x0], $0xffff;
	v13 =	vand.u32 $0xFFFFFF80, v22;
	v23 =	vand.u32 $0x7F, v22;
	vm0 =	vge.s32 v7, v22  }
0x108: {  	vm2 =	vlt.s32 v7, v22;
	v25 =	vmul.f32 v28, v25;
	v36 =	vmul.f32 v63, v36  }
0x109: {  	v14 =	vld.idx.msk [tilespmem:v14+s11+$0x0], $0xffff;
	v20 =	vadd.s32 v5, v13;
	vm14 =	vmand vm9, vm2;
	v13 =	vimm.s32 $0x0  }
0x10a: {  	v53 =	vpop (erf);
	vm0 =	vmand vm9, vm0;
	v28 =	vsub.f32 v8, v29;
	(erf) = vpow2.f32 v31  }
0x10b: {  	[tilespmem:$0x1FF80] =	vst v32;
	v13 =	vsel vm9, $0xFFFFFFFF, v13;
	v20 =	vor.u32 v23, v20;
	v32 =	vsel vm0, v22, v47  }
0x10c: {  	v55 =	vsel vm14, v22, v21;
	v23 =	vsel vm12, v9, v29;
	v21 =	vmul.f32 v10, v54  }
0x10d: {  	v9 =	vsub.f32 v29, v9;
	v22 =	vsel vm12, v29, v8;
	v47 =	vadd.f32 $1.000000000e+00, v53  }
0x10e: {  	[tilespmem:$0x1FFB0] =	vst v13;
	v13 =	vshra.s32 v49, $0x1;
	v10 =	vsub.s32 v55, v32;
	v28 =	vmul.f32 v14, v28  }
0x10f: {  	v34 =	vadd.s32 v27, v13;
	vm10 =	vgt.s32 v10, $0x1;
	v10 =	vshra.s32 v10, $0x1  }
0x110: {  	v9 =	vmul.f32 v9, v24;
	v58 =	vsub.f32 v21, v25;
	v59 =	vsub.f32 v25, v21  }
0x111: {  	v8 =	vand.u32 $0x7F, v34;
	v18 =	vsub.s32 v26, v34;
	v29 =	vand.u32 $0xFFFFFF80, v34  }
0x112: {  	vm3 =	vge.s32 v6, v34;
	vm1 =	vlt.s32 v6, v34;
	v60 =	vadd.s32 v32, v10  }
0x113: {  	[tilespmem:$0x1FF40] =	vst v33;
	v29 =	vadd.s32 v5, v29;
	v39 =	vsel vm1, $0xFFFFFFFF, v56;
	vm1 =	vmand vm11, vm1  }
0x114: {  	vm3 =	vmand vm11, vm3;
	v31 =	vand.u32 $0x7F, v60;
	v21 =	vsel vm1, v34, v26;
	v26 =	vld [tilespmem:$0x1FF40]  }
0x115: {  	v14 =	vsub.s32 v55, v60;
	vm9 =	vge.s32 v7, v60;
	v35 =	vsub.f32 v28, v9  }
0x116: {  	[tilespmem:$0x1FFC0] =	vst v39;
	v39 =	vsel vm11, $0xFFFFFFFF, v57;
	v24 =	vor.u32 v8, v29;
	v25 =	vsel vm3, v34, v27  }
0x117: {  	v8 =	vand.u32 $0xFFFFFF80, v60;
	vm11 =	vlt.s32 v7, v60;
	v27 =	vsel vm7, v30, v52  }
0x118: {  	v29 =	vsub.f32 v52, v30;
	v34 =	vsub.f32 v9, v28;
	v61 =	vsub.s32 v21, v25  }
0x119: {  	v9 =	vadd.s32 v5, v8;
	v8 =	vimm.s32 $0x0;
	vm13 =	vnez.u8 v26;
	v26 =	vld [tilespmem:$0x1FF50]  }
0x11a: {  	[tilespmem:$0x1FFD0] =	vst v39;
	v39 =	vsel vm6, v58, v59;
	vm6 =	vmand vm10, vm11;
	v8 =	vsel vm11, $0xFFFFFFFF, v8  }
0x11b: {  	v38 =	vld.idx.msk [tilespmem:v16+s11+$0x0], $0xffff;
	vm11 =	vmmov vm4;
	vm4 =	vmand vm10, vm9;
	v16 =	vshra.s32 v61, $0x1  }
0x11c: {  	p0 =	sne.s32 s15, $0x1F0;
	v28 =	vor.u32 v31, v9;
	v9 =	vmul.f32 v47, v45;
	[tilespmem:$0x1FFF0] =	vst v8;
	v8 =	vimm.s32 $0x0  }
.Ltmp0:
0x11d: {  	v31 =	vsel vm4, v60, v32;
	v32 =	vadd.s32 v25, v16;
	v8 =	vsel vm10, $0xFFFFFFFF, v8;
	(pc) =	sbr.rel @p0 .LBB2_2-.Ltmp0, $4  }
0x11e: {  	vm10 =	vmmov vm2;
	v62 =	vsel vm13, $0x3F800000, v50;
	vm13 =	vnez.u8 v26  }
0x11f: {  	v26 =	vsel vm5, v30, v51;
	vm5 =	vge.f32 v39, $0.0e+00;
	v39 =	vand.u32 $0x7FFFFFFF, v39  }
0x120: {  	v30 =	vsel vm6, v60, v55;
	v46 =	vsel vm13, $0x3F800000, v53;
	vm13 =	vgt.s32 v61, $0x1  }
0x121: {  	s15 =	sadd.s32 $0x10, s15;
	v37 =	vld.idx.msk [tilespmem:v48+s4+$0x0], $0xffff;
	v11 =	vpop (erf);
	[tilespmem:$0x1FFE0] =	vst v8;
	vm5 =	vmneg vm5;
	v33 =	vsub.f32 $0.0e+00, v39;
	v8 =	vmul.f32 v46, v62  }
0x122: {  	_ =	sdelay $0x3  }
0x123: {  	v12 =	vld.idx.msk [tilespmem:v12+s11+$0x0], $0xffff  }
0x124: {  	v15 =	vld.idx.msk [tilespmem:v15+s11+$0x0], $0xffff;
	v34 =	vsel vm12, v34, v35  }
0x125: {  	v20 =	vld.idx.msk [tilespmem:v20+s4+$0x0], $0xffff;
	v29 =	vmul.f32 v38, v29;
	v60 =	vand.u32 $0xFFFFFF80, v32;
	v39 =	vand.u32 $0x7F, v32  }
0x126: {  	v17 =	vld.idx.msk [tilespmem:v17+s11+$0x0], $0xffff;
	v46 =	vsub.s32 v21, v32;
	vm2 =	vlt.s32 v6, v32;
	v38 =	vadd.s32 v5, v60  }
0x127: {  	v24 =	vld.idx.msk [tilespmem:v24+s4+$0x0], $0xffff;
	v47 =	vand.u32 $0x7FFFFFFF, v34;
	v33 =	vmul.f32 $1.442695020e+00, v33;
	vm9 =	vge.f32 v34, $0.0e+00  }
0x128: {  	v45 =	vld [tilespmem:$0x1FF90];
	v41 =	vsub.f32 v36, v29;
	v38 =	vor.u32 v39, v38;
	v29 =	vsub.f32 v29, v36  }
0x129: {  	v19 =	vld.idx.msk [tilespmem:v19+s11+$0x0], $0xffff;
	v48 =	vsub.f32 $0.0e+00, v47;
	(erf) = vpow2.f32 v33;
	v59 =	vsel vm15, v37, v23  }
0x12a: {  	v56 =	vld [tilespmem:$0x1FFC0];
	v61 =	vsub.f32 v37, v23;
	v40 =	vsub.f32 v22, v37;
	v63 =	vsel vm8, v37, v22  }
0x12b: {  	v13 =	vld.idx.msk [tilespmem:v13+s11+$0x0], $0xffff;
	vm8 =	vmand vm13, vm2;
	v51 =	vmul.f32 $1.442695020e+00, v48;
	v62 =	vsub.f32 v20, v26  }
0x12c: {  	v18 =	vld.idx.msk [tilespmem:v18+s11+$0x0], $0xffff;
	v42 =	vsub.f32 v27, v20;
	v26 =	vsel vm0, v20, v26;
	v20 =	vsel vm14, v20, v27  }
0x12d: {  	v27 =	vsel vm3, v24, v59;
	vm15 =	vnez.u8 v45;
	v49 =	vsub.f32 v24, v59  }
0x12e: {  	v23 =	vld.idx.msk [tilespmem:v28+s4+$0x0], $0xffff;
	v22 =	vsub.f32 v63, v24;
	v50 =	vsel vm8, v32, v21;
	v12 =	vmul.f32 v12, v61  }
0x12f: {  	v53 =	vld [tilespmem:$0x1FF60];
	vm12 =	vnez.u8 v56;
	v15 =	vmul.f32 v15, v40;
	(erf) = vpow2.f32 v51  }
0x130: {  	v17 =	vmul.f32 v17, v62;
	v19 =	vmul.f32 v19, v42;
	v37 =	vld.idx.msk [tilespmem:v38+s4+$0x0], $0xffff;
	v38 =	vsel vm1, v24, v63  }
0x131: {  	v10 =	vld.idx.msk [tilespmem:v10+s11+$0x0], $0xffff;
	v13 =	vmul.f32 v13, v49;
	v18 =	vmul.f32 v18, v22;
	v43 =	vsub.f32 v12, v15  }
0x132: {  	v14 =	vld.idx.msk [tilespmem:v14+s11+$0x0], $0xffff;
	v12 =	vsub.f32 v15, v12;
	v15 =	vsel vm11, $0x3F800000, v11;
	v44 =	vsub.f32 v17, v19  }
0x133: {  	v42 =	vld [tilespmem:$0x1FF70];
	v17 =	vsub.f32 v19, v17;
	v36 =	vsel vm4, v23, v26;
	v33 =	vsub.f32 v13, v18  }
0x134: {  	v39 =	vsel vm6, v23, v20;
	v13 =	vsub.f32 v18, v13;
	v26 =	vsub.f32 v23, v26  }
0x135: {  	v20 =	vsub.f32 v20, v23;
	v8 =	vmul.f32 v15, v8;
	v19 =	vsel vm15, v43, v12  }
0x136: {  	v12 =	vsub.s32 v30, v31;
	v17 =	vsel vm10, v44, v17;
	vm10 =	vnez.u8 v53  }
0x137: {  	v13 =	vsel vm12, v33, v13;
	v10 =	vmul.f32 v10, v26;
	v14 =	vmul.f32 v14, v20  }
0x138: {  	v51 =	vand.u32 $0x7FFFFFFF, v19;
	vm12 =	vge.f32 v19, $0.0e+00;
	vm7 =	vnez.u8 v42  }
0x139: {  	v22 =	vsel vm8, v37, v38;
	vm11 =	vmand vm10, vm5;
	v61 =	vpop (erf);
	vm6 =	vge.f32 v17, $0.0e+00  }
0x13a: {  	v28 =	vsel vm7, v41, v29;
	vm7 =	vge.s32 v6, v32;
	v62 =	vadd.f32 $1.000000000e+00, v61  }
0x13b: {  	v41 =	vnsel vm11, $0x3F800000, v61;
	v45 =	vsub.f32 v10, v14;
	vm0 =	vmand vm13, vm7  }
0x13c: {  	v16 =	vld.idx.msk [tilespmem:v16+s11+$0x0], $0xffff;
	v14 =	vsub.f32 v14, v10;
	v57 =	vand.u32 $0x7FFFFFFF, v28;
	v25 =	vsel vm0, v32, v25  }
0x13d: {  	v29 =	vld.idx.msk [tilespmem:v46+s11+$0x0], $0xffff;
	v40 =	vsel vm0, v37, v27;
	v32 =	vshra.s32 v12, $0x1;
	v24 =	vsub.f32 $0.0e+00, v57  }
0x13e: {  	v46 =	vld [tilespmem:$0x1FFF0];
	v42 =	vnsel vm10, $0x3F800000, v62;
	v27 =	vsub.f32 v37, v27;
	v52 =	vsub.s32 v50, v25  }
0x13f: {  	v37 =	vsub.f32 v38, v37;
	v18 =	vadd.s32 v31, v32;
	v31 =	vshra.s32 v52, $0x1  }
0x140: {  	v54 =	vand.u32 $0xFFFFFF80, v18;
	vm0 =	vgt.s32 v52, $0x1;
	v60 =	vand.u32 $0x7F, v18  }
0x141: {  	v24 =	vmul.f32 $1.442695020e+00, v24;
	v63 =	vsub.s32 v30, v18;
	v16 =	vmul.f32 v16, v27  }
0x142: {  	vm11 =	vlt.s32 v7, v18;
	v55 =	vadd.s32 v25, v31;
	v34 =	vadd.s32 v5, v54  }
0x143: {  	v43 =	vmul.f32 v29, v37;
	vm8 =	vnez.u8 v46;
	v58 =	vand.u32 $0xFFFFFF80, v55  }
0x144: {  	v59 =	vand.u32 $0x7F, v55;
	v34 =	vor.u32 v60, v34;
	vm14 =	vge.s32 v6, v55  }
0x145: {  	vm1 =	vlt.s32 v6, v55;
	(erf) = vpow2.f32 v24;
	v14 =	vsel vm8, v45, v14  }
0x146: {  	v21 =	vsub.s32 v50, v55;
	v33 =	vadd.s32 v5, v58;
	vm15 =	vmand vm0, vm1  }
0x147: {  	v54 =	vld [tilespmem:$0x1FF80];
	vm4 =	vmand vm0, vm14;
	v29 =	vsub.f32 v16, v43;
	v16 =	vsub.f32 v43, v16  }
0x148: {  	v58 =	vand.u32 $0x7FFFFFFF, v17;
	v33 =	vor.u32 v59, v33;
	v38 =	vsel vm4, v55, v25  }
0x149: {  	v24 =	vpop (erf);
	v44 =	vsel vm15, v55, v50;
	v55 =	vsub.f32 $0.0e+00, v51;
	v59 =	vand.u32 $0x7FFFFFFF, v13  }
0x14a: {  	v23 =	vsel vm9, $0x3F800000, v24;
	v10 =	vsub.s32 v44, v38;
	v16 =	vsel vm2, v29, v16  }
0x14b: {  	vm9 =	vge.f32 v28, $0.0e+00;
	v61 =	vsub.f32 $0.0e+00, v59;
	v48 =	vshra.s32 v10, $0x1  }
0x14c: {  	v53 =	vld.idx.msk [tilespmem:v32+s11+$0x0], $0xffff;
	vm2 =	vmneg vm9;
	vm10 =	vnez.u8 v54;
	v32 =	vmul.f32 $1.442695020e+00, v55  }
0x14d: {  	v51 =	vld [tilespmem:$0x1FFA0];
	v8 =	vmul.f32 v23, v8;
	vm8 =	vge.f32 v16, $0.0e+00;
	vm9 =	vge.f32 v14, $0.0e+00  }
0x14e: {  	v20 =	vadd.s32 v38, v48;
	v50 =	vld.idx.msk [tilespmem:v34+s4+$0x0], $0xffff;
	vm2 =	vmand vm10, vm2;
	v38 =	vsub.f32 $0.0e+00, v58  }
0x14f: {  	v30 =	vld.idx.msk [tilespmem:v63+s11+$0x0], $0xffff;
	v63 =	vmul.f32 $1.442695020e+00, v61;
	v49 =	vand.u32 $0xFFFFFF80, v20;
	v52 =	vand.u32 $0x7F, v20  }
0x150: {  	v26 =	vsub.s32 v44, v20;
	(erf) = vpow2.f32 v32;
	v60 =	vmul.f32 $1.442695020e+00, v38  }
0x151: {  	v32 =	vadd.f32 $1.000000000e+00, v24;
	v8 =	vmul.f32 v41, v8;
	v33 =	vld.idx.msk [tilespmem:v33+s4+$0x0], $0xffff;
	v5 =	vadd.s32 v5, v49  }
0x152: {  	vm14 =	vnez.u8 v51;
	v5 =	vor.u32 v52, v5;
	v56 =	vpop (erf);
	(erf) = vpow2.f32 v60  }
0x153: {  	v27 =	vld.idx.msk [tilespmem:v48+s11+$0x0], $0xffff;
	v48 =	vand.u32 $0x7FFFFFFF, v14;
	v37 =	vnsel vm2, $0x3F800000, v56;
	v36 =	vsub.f32 v50, v36  }
0x154: {  	v29 =	vsub.f32 v39, v50;
	(erf) = vpow2.f32 v63;
	vm2 =	vmneg vm12  }
0x155: {  	v31 =	vld.idx.msk [tilespmem:v31+s11+$0x0], $0xffff;
	v52 =	vsub.f32 $0.0e+00, v48;
	vm12 =	vgt.s32 v12, $0x1;
	vm2 =	vmand vm14, vm2  }
0x156: {  	v21 =	vld.idx.msk [tilespmem:v21+s11+$0x0], $0xffff;
	v47 =	vsel vm4, v33, v40;
	v57 =	vsel vm15, v33, v22;
	v28 =	vmul.f32 v53, v36  }
0x157: {  	v63 =	vld [tilespmem:$0x1FFD0];
	v29 =	vmul.f32 v30, v29;
	v62 =	vsub.f32 v33, v40;
	v22 =	vsub.f32 v22, v33  }
0x158: {  	v40 =	vadd.f32 $1.000000000e+00, v56;
	v53 =	vand.u32 $0x7FFFFFFF, v16;
	vm15 =	vlt.s32 v6, v20  }
0x159: {  	v19 =	vmul.f32 $1.442695020e+00, v52;
	vm4 =	vge.f32 v13, $0.0e+00;
	v56 =	vsub.f32 $0.0e+00, v53  }
0x15a: {  	v5 =	vld.idx.msk [tilespmem:v5+s4+$0x0], $0xffff;
	v43 =	vsub.f32 v28, v29;
	v28 =	vsub.f32 v29, v28;
	v44 =	vnsel vm10, $0x3F800000, v40  }
0x15b: {  	v45 =	vmul.f32 v31, v62;
	v46 =	vmul.f32 v21, v22;
	v62 =	vadd.f32 $1.000000000e+00, v11  }
0x15c: {  	v54 =	vpop (erf);
	v6 =	vmul.f32 $1.442695020e+00, v56;
	vm5 =	vnez.u8 v63;
	v21 =	vsel vm11, v43, v28  }
0x15d: {  	v31 =	vld [tilespmem:$0x1FFB0];
	v49 =	vsub.f32 v45, v46;
	v7 =	vsub.f32 v46, v45;
	v58 =	vnsel vm2, $0x3F800000, v54  }
0x15e: {  	v9 =	vmul.f32 v62, v9;
	v35 =	vand.u32 $0x7FFFFFFF, v21;
	v8 =	vmul.f32 v58, v8  }
0x15f: {  	v26 =	vld.idx.msk [tilespmem:v26+s11+$0x0], $0xffff;
	v47 =	vsub.f32 v5, v47;
	v5 =	vsub.f32 v57, v5;
	v7 =	vsel vm1, v49, v7  }
0x160: {  	v57 =	vadd.f32 $1.000000000e+00, v54;
	v59 =	vpop (erf);
	vm1 =	vmneg vm4;
	(erf) = vpow2.f32 v19  }
0x161: {  	v9 =	vmul.f32 v32, v9;
	v11 =	vsub.f32 $0.0e+00, v35;
	vm1 =	vmand vm5, vm1  }
0x162: {  	v60 =	vpop (erf);
	(erf) = vpow2.f32 v6;
	vm7 =	vnez.u8 v31;
	v33 =	vand.u32 $0x7FFFFFFF, v7  }
0x163: {  	v36 =	vadd.f32 $1.000000000e+00, v59;
	v8 =	vmul.f32 v37, v8;
	vm11 =	vge.f32 v7, $0.0e+00  }
0x164: {  	v43 =	vld [tilespmem:$0x1FFE0];
	v50 =	vmul.f32 v27, v47;
	v5 =	vmul.f32 v26, v5;
	v18 =	vnsel vm14, $0x3F800000, v57  }
0x165: {  	v61 =	vadd.f32 $1.000000000e+00, v60;
	v28 =	vnsel vm1, $0x3F800000, v60;
	v15 =	vsub.f32 $0.0e+00, v33  }
0x166: {  	vm1 =	vmneg vm6;
	v55 =	vsub.f32 v50, v5;
	v5 =	vsub.f32 v5, v50  }
0x167: {  	v9 =	vmul.f32 v42, v9;
	v11 =	vmul.f32 $1.442695020e+00, v11;
	vm1 =	vmand vm7, vm1  }
0x168: {  	v19 =	vnsel vm7, $0x3F800000, v36;
	v15 =	vmul.f32 $1.442695020e+00, v15;
	v5 =	vsel vm15, v55, v5  }
0x169: {  	vm10 =	vnez.u8 v43;
	v9 =	vmul.f32 v18, v9;
	v39 =	vand.u32 $0x7FFFFFFF, v5  }
0x16a: {  	v6 =	vmul.f32 v28, v8;
	(erf) = vpow2.f32 v15;
	v15 =	vsub.f32 $0.0e+00, v39  }
0x16b: {  	v30 =	vnsel vm5, $0x3F800000, v61;
	v34 =	vnsel vm1, $0x3F800000, v59;
	v9 =	vmul.f32 v44, v9  }
0x16c: {  	vm1 =	vmneg vm8;
	v38 =	vpop (erf);
	(erf) = vpow2.f32 v11;
	v15 =	vmul.f32 $1.442695020e+00, v15  }
0x16d: {  	vm1 =	vmand vm13, vm1;
	v6 =	vmul.f32 v34, v6;
	vm15 =	vgt.s32 v10, $0x1  }
0x16e: {  	v46 =	vmul.f32 v30, v9;
	v40 =	vpop (erf);
	v44 =	vadd.f32 $1.000000000e+00, v38;
	(erf) = vpow2.f32 v15  }
0x16f: {  	v41 =	vnsel vm1, $0x3F800000, v40;
	v42 =	vadd.f32 $1.000000000e+00, v40;
	vm1 =	vmneg vm9  }
0x170: {  	vm14 =	vge.f32 v5, $0.0e+00;
	v7 =	vmul.f32 v19, v46;
	vm1 =	vmand vm10, vm1  }
0x171: {  	v8 =	vnsel vm10, $0x3F800000, v44;
	v6 =	vmul.f32 v41, v6;
	v14 =	vnsel vm13, $0x3F800000, v42  }
0x172: {  	v45 =	vnsel vm1, $0x3F800000, v38;
	vm1 =	vmneg vm11;
	vm13 =	vge.f32 v21, $0.0e+00  }
0x173: {  	vm1 =	vmand vm0, vm1;
	v7 =	vmul.f32 v14, v7;
	v6 =	vmul.f32 v45, v6;
	v47 =	vpop (erf)  }
0x174: {  	v48 =	vnsel vm1, $0x3F800000, v47;
	vm1 =	vmneg vm13;
	v9 =	vadd.f32 $1.000000000e+00, v47  }
0x175: {  	v7 =	vmul.f32 v8, v7;
	vm1 =	vmand vm12, vm1;
	v5 =	vmul.f32 v48, v6;
	v49 =	vpop (erf)  }
0x176: {  	v9 =	vnsel vm0, $0x3F800000, v9;
	vm0 =	vmneg vm14;
	v50 =	vadd.f32 $1.000000000e+00, v49  }
0x177: {  	v51 =	vnsel vm1, $0x3F800000, v49;
	v7 =	vmul.f32 v9, v7;
	vm0 =	vmand vm15, vm0;
	v53 =	vpop (erf)  }
0x178: {  	v5 =	vmul.f32 v51, v5;
	v52 =	vnsel vm12, $0x3F800000, v50;
	v54 =	vadd.f32 $1.000000000e+00, v53  }
0x179: {  	v9 =	vnsel vm0, $0x3F800000, v53;
	v6 =	vmul.f32 v52, v7  }
0x17a: {  	v5 =	vmul.f32 v9, v5;
	v55 =	vnsel vm15, $0x3F800000, v54  }
0x17b: {  	v6 =	vmul.f32 v55, v6  }
0x17c: {  	v56 =	vand.u32 $0x7FFFFF, v5  }
0x17d: {  	v7 =	vor.u32 $0x3F800000, v56;
	v57 =	vand.u32 $0x7FFFFF, v6  }
0x17e: {  	v58 =	vadd.f32 $1.000000000e+00, v7;
	v8 =	vor.u32 $0x3F800000, v57  }
0x17f: {  	v59 =	vadd.f32 $1.000000000e+00, v8  }
0x180: {  	(erf) = vrcp.f32 v58  }
0x181: {  	(erf) = vrcp.f32 v59;
	_ =	sdelay $0x7  }
0x182: {  	v7 =	vadd.f32 $-1.000000000e+00, v7;
	v8 =	vadd.f32 $-1.000000000e+00, v8;
	v9 =	vpop (erf)  }
0x183: {  	v10 =	vpop (erf)  }
0x184: {  	v7 =	vmul.f32 v9, v7;
	v8 =	vmul.f32 v10, v8;
	_ =	sdelay $0x1  }
0x185: {  	v61 =	vmul.f32 v7, v7;
	v60 =	vmul.f32 v8, v8;
	_ =	sdelay $0x1  }
0x186: {  	v63 =	vmul.f32 $9.090909360e-02, v61;
	v62 =	vmul.f32 $9.090909360e-02, v60;
	_ =	sdelay $0x1  }
0x187: {  	v12 =	vadd.f32 $1.111111120e-01, v63;
	v11 =	vadd.f32 $1.111111120e-01, v62;
	_ =	sdelay $0x1  }
0x188: {  	v12 =	vmul.f32 v12, v61;
	v11 =	vmul.f32 v11, v60;
	_ =	sdelay $0x1  }
0x189: {  	v12 =	vadd.f32 $1.428571490e-01, v12;
	v11 =	vadd.f32 $1.428571490e-01, v11;
	_ =	sdelay $0x1  }
0x18a: {  	v12 =	vmul.f32 v12, v61;
	v11 =	vmul.f32 v11, v60;
	_ =	sdelay $0x1  }
0x18b: {  	v12 =	vadd.f32 $2.000000030e-01, v12;
	v11 =	vadd.f32 $2.000000030e-01, v11  }
0x18c: {  	v5 =	vshrl.u32 v5, $0x17  }
0x18d: {  	v5 =	vand.u32 $0xFF, v5;
	v12 =	vmul.f32 v12, v61;
	v11 =	vmul.f32 v11, v60  }
0x18e: {  	v5 =	vadd.s32 $0xFFFFFF81, v5  }
0x18f: {  	v6 =	vshrl.u32 v6, $0x17;
	v12 =	vadd.f32 $3.333333430e-01, v12;
	v11 =	vadd.f32 $3.333333430e-01, v11  }
0x190: {  	v6 =	vand.u32 $0xFF, v6;
	v5 =	vcvt.s32.f32 v5  }
0x191: {  	v6 =	vadd.s32 $0xFFFFFF81, v6;
	v10 =	vmul.f32 v12, v61;
	v9 =	vmul.f32 v11, v60  }
0x192: {  	v6 =	vcvt.s32.f32 v6;
	v7 =	vadd.f32 v7, v7;
	v8 =	vadd.f32 v8, v8  }
0x193: {  	v10 =	vadd.f32 $1.000000000e+00, v10;
	v9 =	vadd.f32 $1.000000000e+00, v9  }
0x194: {  	v5 =	vmul.f32 $6.931471820e-01, v5;
	v6 =	vmul.f32 $6.931471820e-01, v6  }
0x195: {  	v7 =	vmul.f32 v10, v7;
	v8 =	vmul.f32 v9, v8;
	_ =	sdelay $0x1  }
0x196: {  	v5 =	vadd.f32 v7, v5;
	v6 =	vadd.f32 v8, v6;
	_ =	sdelay $0x1  }
0x197: {  	v5 =	vsub.f32 v6, v5;
	_ =	sdelay $0x1  }
0x198: {  	v5 =	vmul.f32 $5.000000000e-01, v5;
	_ =	sdelay $0x1  }
0x199: {  	s13 =	sadd.s32 $0x1, s13;
	v4 =	vadd.f32 v5, v4  }
0x19a: {  	p0 =	sne.s32 s13, s8  }
.Ltmp1:
0x19b: {  	[tilespmem:$0x10300] =	vst v4;
	(pc) =	sbr.rel @p0 .LBB2_1-.Ltmp1, $4  }
0x19c: {  	[hbm4b:s7+s4] =	stream.linear.scatter [tilespmem:s12], [sflag:$0x1], $0x80, $0x38;
	[tilespmem:$0x10380] =	vst v63  }
0x19d: {  	_ =	swait.ge [sflag:s9], $0x80  }
0x19e: {  	[sflag:s9] =	ssyncset.done $0x0  }
0x19f: {  	[sflag:s9] =	ssyncadd.s32 $0xFFFFFF80  }
0x1a0: {  	_ =	sfence.sel $0x180000  }
0x1a1: {  	[bflag:$0x0] =	sbarrier.arrive $0xFFFF  }
0x1a2: {  	p0 =	sne.s32 s1, $0x0;
	_ =	strace $0x90000047  }
0x1a3: {  	s0 =	sadd.s32 @!p0 $0x100000, s0;
	[bflag:$0x2] =	sbarrier.arrive $0xFFFF  }
0x1a4: {  	[sflag:s0] =	ssyncadd.tile.s32 @!p0 $0x1;
	_ =	shalt  }
.Lfunc_end2:
_tile_overlayer_lowered:
.L_overlay_start_2:
0x1a5: {  	(tag) =	ssettag $0x2  }
0x1a6: {  	s0 =	rddreg [dreg:$0x0];
	s2 =	stileid.u32  }
0x1a7: {  	s1 =	rddreg [dreg:$0x1];
	p0 =	sne.s32 s2, $0x0  }
0x1a8: {  	s3 =	rddreg [dreg:$0x2];
	[bflag:$0x3] =	sbarrier.arrive $0xFFFF;
	s2 =	simm.s32 @!p0 $0x1C01  }
0x1a9: {  	[timem:s3], [sflag:s2] =	dma.local @!p0 [hbm:s0], s1  }
0x1aa: {  	s0 =	simm.s32 @!p0 $0x1  }
0x1ab: {  	_ =	swait.ge @!p0 [sflag:s0], s1  }
0x1ac: {  	s1 =	ssub.s32 @!p0 $0x0, s1;
	[sflag:s0] =	ssyncset.done @!p0 $0x0  }
0x1ad: {  	[sflag:s0] =	ssyncadd.s32 @!p0 s1  }
0x1ae: {  	[bflag:$0x3] =	sbarrier.arrive $0xFFFF  }
0x1af: {  	_ =	shalt  }

</sc_bundles>
